<compile_context>
chip_gen: v7x
topology: tpu7x:2x2x1
jax: 0.10.2.dev20260603
libtpu: 0.0.44.dev20260713+nightly
codegen_flags: <defaults>
</compile_context>

<pallas_src>
import functools

import jax
import jax.numpy as jnp
from jax import lax
from jax.experimental import pallas as pl
from jax.experimental.pallas import tpu as pltpu
from jax.experimental.pallas import tpu_sc as plsc

B, L, D = 2, 2048, 64
G = 32
NH = 4
BW = 4.0
NB = 64
K = 64
BQ = 256
NEG = float(jnp.finfo(jnp.float32).min)

NCORE, NSUB = 2, 16
TPB = NSUB
KPT = L // TPB
QPT = L // TPB
MAPB = 14
MAPW = 1 << MAPB
MMASK = MAPW - 1


def _sc_screen_body(qc0_hbm, qc1_hbm, kc0_hbm, kc1_hbm, out_hbm,
                    kc0_v, kc1_v, qc0_v, qc1_v,
                    cm0, cm1, ct0, ct1, flags_v, sem, sem2, sem3, sem4):
    b = lax.axis_index("c")
    s = lax.axis_index("s")
    base = pl.multiple_of(s * QPT, QPT)
    lanes = lax.iota(jnp.int32, 16)

    dmas = [
        pltpu.make_async_copy(kc0_hbm.at[b, 0], kc0_v, sem),
        pltpu.make_async_copy(kc1_hbm.at[b, 0], kc1_v, sem2),
        pltpu.make_async_copy(qc0_hbm.at[b, 0, pl.ds(base, QPT)], qc0_v, sem3),
        pltpu.make_async_copy(qc1_hbm.at[b, 0, pl.ds(base, QPT)], qc1_v, sem4),
    ]
    for dma in dmas:
        dma.start()

    zeros16 = jnp.zeros((16,), jnp.int32)

    def zero_maps(c, _):
        for u in range(8):
            off = pl.multiple_of(c * 128 + u * 16, 16)
            ct0[pl.ds(off, 16)] = zeros16
            ct1[pl.ds(off, 16)] = zeros16
        return 0

    with jax.named_scope("sc_zero"):
        lax.fori_loop(0, MAPW // 128, zero_maps, 0)
    for dma in dmas:
        dma.wait()

    UN = 4

    def build(c, _):
        for u in range(UN):
            off = pl.multiple_of(c * 16 * UN + u * 16, 16)
            k0 = kc0_v[pl.ds(off, 16)]
            k1 = kc1_v[pl.ds(off, 16)]
            plsc.store_scatter(cm0, [k0 & MMASK], k0)
            plsc.store_scatter(cm1, [k1 & MMASK], k1)
        return 0

    with jax.named_scope("sc_build"):
        lax.fori_loop(0, L // (16 * UN), build, 0)

    ones = jnp.full((16,), 1, jnp.int32)

    def contest(c, _):
        for u in range(UN):
            off = pl.multiple_of(c * 16 * UN + u * 16, 16)
            k0 = kc0_v[pl.ds(off, 16)]
            k1 = kc1_v[pl.ds(off, 16)]
            s0 = k0 & MMASK
            s1 = k1 & MMASK
            lost0 = plsc.load_gather(cm0, [s0]) != k0
            lost1 = plsc.load_gather(cm1, [s1]) != k1
            plsc.store_scatter(ct0, [s0], ones, mask=lost0)
            plsc.store_scatter(ct1, [s1], ones, mask=lost1)
        return 0

    with jax.named_scope("sc_contest"):
        lax.fori_loop(0, L // (16 * UN), contest, 0)

    sscope = jax.named_scope("sc_screen")
    sscope.__enter__()

    def screen(v, _):
        off = pl.multiple_of(v * 16, 16)
        q0 = qc0_v[pl.ds(off, 16)]
        q1 = qc1_v[pl.ds(off, 16)]
        s0 = q0 & MMASK
        s1 = q1 & MMASK
        hit0 = plsc.load_gather(cm0, [s0]) == q0
        hit1 = plsc.load_gather(cm1, [s1]) == q1
        con0 = plsc.load_gather(ct0, [s0]) > 0
        con1 = plsc.load_gather(ct1, [s1]) > 0
        flag = hit0 | hit1
        amb = (~flag) & (con0 | con1)
        flags_v[pl.ds(off, 16)] = flag.astype(jnp.int32)
        n_amb = jnp.sum(amb.astype(jnp.int32))

        @pl.when(n_amb > 0)
        def _verify():
            def w_cond(carry):
                return jnp.max(carry.astype(jnp.int32)) > 0

            def w_body(carry):
                w = plsc.all_reduce_ffs(carry)
                qloc = jnp.zeros((16,), jnp.int32) + v * 16 + w
                a0 = plsc.load_gather(qc0_v, [qloc])
                a1 = plsc.load_gather(qc1_v, [qloc])

                def scan(c, acc):
                    for u in range(UN):
                        o = pl.multiple_of(c * 16 * UN + u * 16, 16)
                        acc = (acc | (kc0_v[pl.ds(o, 16)] == a0)
                               | (kc1_v[pl.ds(o, 16)] == a1))
                    return acc

                m = lax.fori_loop(0, L // (16 * UN), scan,
                                  jnp.zeros((16,), jnp.bool_))
                res = (plsc.all_reduce_population_count(m) > 0)
                plsc.store_scatter(flags_v, [qloc],
                                   res.astype(jnp.int32),
                                   mask=lanes == 0)
                return carry & (lanes != w)

            lax.while_loop(w_cond, w_body, amb)

        return 0

    lax.fori_loop(0, QPT // 16, screen, 0)

    sscope.__exit__(None, None, None)

    def orred(v, acc):
        return acc | flags_v[pl.ds(pl.multiple_of(v * 16, 16), 16)]

    anyv = lax.fori_loop(0, QPT // 16, orred, jnp.zeros((16,), jnp.int32))
    flags_v[pl.ds(0, 16)] = anyv
    w = pl.multiple_of((b * NSUB + s) * 16, 16)
    pltpu.sync_copy(flags_v.at[pl.ds(0, 16)], out_hbm.at[pl.ds(w, 16)])


@functools.lru_cache(maxsize=1)
def _make_sc_screen():
    mesh = plsc.VectorSubcoreMesh(core_axis_name="c", subcore_axis_name="s",
                                  num_cores=NCORE, num_subcores=NSUB)
    return pl.kernel(
        _sc_screen_body,
        out_type=jax.ShapeDtypeStruct((NCORE * NSUB * 16,), jnp.int32),
        mesh=mesh,
        compiler_params=pltpu.CompilerParams(needs_layout_passes=False),
        scratch_types=[
            pltpu.VMEM((L,), jnp.int32),
            pltpu.VMEM((L,), jnp.int32),
            pltpu.VMEM((QPT,), jnp.int32),
            pltpu.VMEM((QPT,), jnp.int32),
            pltpu.VMEM((MAPW,), jnp.int32),
            pltpu.VMEM((MAPW,), jnp.int32),
            pltpu.VMEM((MAPW,), jnp.int32),
            pltpu.VMEM((MAPW,), jnp.int32),
            pltpu.VMEM((QPT,), jnp.int32),
            pltpu.SemaphoreType.DMA,
            pltpu.SemaphoreType.DMA,
            pltpu.SemaphoreType.DMA,
            pltpu.SemaphoreType.DMA,
        ],
    )



def _pack_weights():
    d = lax.broadcasted_iota(jnp.int32, (G, 2), 0)
    c = lax.broadcasted_iota(jnp.int32, (G, 2), 1)
    p = jnp.left_shift(jnp.int32(1), lax.rem(d, 16)).astype(jnp.float32)
    return jnp.where(c == d // 16, p, 0.0)


def _body(qf_ref, kf_ref, p0_ref, p1_ref, cand_ref, vals_ref):
    qf = qf_ref[0]
    kf = kf_ref[0]
    projs = (p0_ref[...], p1_ref[...])

    W = _pack_weights()

    qcodes, kcodes, qhash, khash = [], [], [], []
    for g in range(2):
        qg = qf[:, g * G:(g + 1) * G]
        kg = kf[:, g * G:(g + 1) * G]
        qb = (qg > 0).astype(jnp.float32)
        kb = (kg > 0).astype(jnp.float32)
        qcodes.append(lax.dot_general(qb, W, (((1,), (0,)), ((), ())),
                                      preferred_element_type=jnp.float32))
        kcodes.append(lax.dot_general(W, kb, (((0,), (1,)), ((), ())),
                                      preferred_element_type=jnp.float32))
        qy = lax.dot_general(qg, projs[g], (((1,), (0,)), ((), ())),
                             preferred_element_type=jnp.float32)
        ky = lax.dot_general(projs[g], kg, (((0,), (1,)), ((), ())),
                             preferred_element_type=jnp.float32)
        qh = jnp.floor(qy / BW)
        kh = jnp.floor(ky / BW)
        qhash.append(qh - jnp.floor(qh / NB) * NB)
        khash.append(kh - jnp.floor(kh / NB) * NB)

    code_eq = []
    for g in range(2):
        eq = ((qcodes[g][:, 0:1] == kcodes[g][0:1, :]) &
              (qcodes[g][:, 1:2] == kcodes[g][1:2, :]))
        code_eq.append(eq)
    screen = code_eq[0] | code_eq[1]
    any_match = jnp.sum(screen.astype(jnp.int32)) > 0

    cand_ref[...] = jnp.full((1, BQ, K), -1, dtype=jnp.int32)
    vals_ref[...] = jnp.full((1, BQ, K), NEG, dtype=jnp.float32)

    @pl.when(any_match)
    def _heavy():
        full_mask = jnp.zeros((BQ, L), dtype=jnp.bool_)
        for g in range(2):
            lsh = jnp.zeros((BQ, L), dtype=jnp.bool_)
            for h in range(NH):
                lsh = lsh | (qhash[g][:, h:h + 1] == khash[g][h:h + 1, :])
            full_mask = full_mask | (code_eq[g] & lsh)
        scores = lax.dot_general(qf, kf, (((1,), (1,)), ((), ())),
                                 preferred_element_type=jnp.float32)
        masked = jnp.where(full_mask, scores, NEG)
        iota_k = lax.broadcasted_iota(jnp.int32, (BQ, L), 1)
        iota_c = lax.broadcasted_iota(jnp.int32, (BQ, K), 1)

        def step(j, carry):
            m_vals, out_v, out_i = carry
            mx = jnp.max(m_vals, axis=1, keepdims=True)
            idx = jnp.min(jnp.where(m_vals == mx, iota_k, L),
                          axis=1, keepdims=True)
            col = iota_c == j
            out_v = jnp.where(col, mx, out_v)
            out_i = jnp.where(col, jnp.where(mx > NEG, idx, -1), out_i)
            return jnp.where(iota_k == idx, NEG, m_vals), out_v, out_i

        _, out_v, out_i = lax.fori_loop(
            0, K, step,
            (masked,
             jnp.full((BQ, K), NEG, dtype=jnp.float32),
             jnp.full((BQ, K), -1, dtype=jnp.int32)))
        vals_ref[0] = out_v
        cand_ref[0] = out_i


def _run(qf, kf, p0, p1):
    qt = L // BQ
    grid = (B, qt)
    return pl.pallas_call(
        _body,
        grid=grid,
        in_specs=[
            pl.BlockSpec((1, BQ, D), lambda b, t: (b, t, 0)),
            pl.BlockSpec((1, L, D), lambda b, t: (b, 0, 0)),
            pl.BlockSpec((G, NH), lambda b, t: (0, 0)),
            pl.BlockSpec((G, NH), lambda b, t: (0, 0)),
        ],
        out_specs=[
            pl.BlockSpec((1, BQ, K), lambda b, t: (b, t, 0)),
            pl.BlockSpec((1, BQ, K), lambda b, t: (b, t, 0)),
        ],
        out_shape=[
            jax.ShapeDtypeStruct((B, L, K), jnp.int32),
            jax.ShapeDtypeStruct((B, L, K), jnp.float32),
        ],
    )(qf, kf, p0, p1)


def _codes_body(qf_ref, kf_ref, qc0_ref, qc1_ref, kc0_ref, kc1_ref):
    W = _pack_weights()
    for feat_ref, (c0_ref, c1_ref) in ((qf_ref, (qc0_ref, qc1_ref)),
                                       (kf_ref, (kc0_ref, kc1_ref))):
        x = feat_ref[0]
        for g, c_ref in enumerate((c0_ref, c1_ref)):
            xb = (x[:, g * G:(g + 1) * G] > 0).astype(jnp.float32)
            halves = lax.dot_general(W, xb, (((0,), (1,)), ((), ())),
                                     preferred_element_type=jnp.float32)
            code = (halves[0:1, :].astype(jnp.int32) +
                    (halves[1:2, :].astype(jnp.int32) << 16))
            c_ref[0] = code


def _codes(qf, kf):
    return pl.pallas_call(
        _codes_body,
        grid=(B,),
        in_specs=[
            pl.BlockSpec((1, L, D), lambda b: (b, 0, 0)),
            pl.BlockSpec((1, L, D), lambda b: (b, 0, 0)),
        ],
        out_specs=[pl.BlockSpec((1, 1, L), lambda b: (b, 0, 0))] * 4,
        out_shape=[jax.ShapeDtypeStruct((B, 1, L), jnp.int32)] * 4,
    )(qf, kf)


@jax.jit
def _dispatch(qf, kf, p0, p1):
    cand0 = jnp.full((B, L, K), -1, dtype=jnp.int32)
    vals0 = jnp.full((B, L, K), NEG, dtype=jnp.float32)
    qc0, qc1, kc0, kc1 = _codes(qf, kf)
    flags = _make_sc_screen()(qc0, qc1, kc0, kc1)
    any_match = jnp.sum(flags) > 0
    return lax.cond(
        any_match,
        lambda: _run(qf, kf, p0, p1),
        lambda: (cand0, vals0))


def kernel(query_features, key_features, head_idx, lsh_proj_g0, lsh_proj_g1):
    cand, vals = _dispatch(query_features, key_features,
                           lsh_proj_g0, lsh_proj_g1)
    return cand, vals

# --- scband reference (transcript-rebuilt; emitter-appended) ---
"""Pipeline reference for scband-candidate-finder-55929064128666 (READ-ONLY COPY).

The authoritative reference and input builder live on the scoring server;
editing this copy changes nothing except your own understanding.
"""

import jax, jax.numpy as jnp
import numpy as np

B, L, D_KEY = 2, 2048, 64
DIM_GROUPS = [32, 32]
N_HASHES = 4
LSH_BUCKETS = 64
LSH_BANDWIDTH = 4.0
K_MAX = 64
PREFIX_LEN = 8


def _pack_bits(b):
    # Pack a trailing bool axis into int32 codes, 16 bits per chunk (overflow-safe).
    codes = []
    n = b.shape[-1]
    for s in range(0, n, 16):
        chunk = b[..., s:s + 16].astype(jnp.int32)
        w = jnp.int32(2) ** jnp.arange(chunk.shape[-1], dtype=jnp.int32)
        codes.append(jnp.sum(chunk * w, axis=-1))
    return jnp.stack(codes, axis=-1)


def _lsh_hash(x, proj):
    # Multi-hash LSH: bucketized random projections (n_lsh_hashes functions).
    return jnp.floor(jnp.matmul(x, proj) / LSH_BANDWIDTH).astype(jnp.int32) % LSH_BUCKETS


def setup_inputs(seed: int = 0):
    key = jax.random.key(seed)
    kq, kk, kp = jax.random.split(key, 3)
    query_features = jax.random.normal(kq, (B, L, D_KEY), dtype=jnp.float32)
    key_features = jax.random.normal(kk, (B, L, D_KEY), dtype=jnp.float32)
    lsh_proj_g0 = jax.random.normal(jax.random.fold_in(kp, 0), (DIM_GROUPS[0], N_HASHES), dtype=jnp.float32)
    lsh_proj_g1 = jax.random.normal(jax.random.fold_in(kp, 1), (DIM_GROUPS[1], N_HASHES), dtype=jnp.float32)
    return {"query_features": query_features, "key_features": key_features,
            "head_idx": 0, "lsh_proj_g0": lsh_proj_g0, "lsh_proj_g1": lsh_proj_g1}


def _candidate_mask(query_features, key_features, projs):
    Bq, Lq, _ = query_features.shape
    combined = jnp.zeros((Bq, Lq, key_features.shape[1]), dtype=bool)
    start = 0
    for gd, proj in zip(DIM_GROUPS, projs):
        qg = query_features[:, :, start:start + gd]
        kg = key_features[:, :, start:start + gd]
        start += gd
        # LSH match: any of the n_lsh_hashes buckets agree (get_lsh_matches_for_group)
        qh = _lsh_hash(qg, proj)
        kh = _lsh_hash(kg, proj)
        lsh_match = jnp.any(qh[:, :, None, :] == kh[:, None, :, :], axis=-1)
        # Binary quantization (binary_quantize)
        qb = qg > 0
        kb = kg > 0
        # Wu-Manber: match on first wu_manber_prefix_len bits (hash-table lookup == prefix equality)
        q_pref = _pack_bits(qb[..., :PREFIX_LEN])
        k_pref = _pack_bits(kb[..., :PREFIX_LEN])
        wm_match = jnp.all(q_pref[:, :, None, :] == k_pref[:, None, :, :], axis=-1)
        # Trie: full binary-vector path match (stride chunks traverse the whole vector => exact equality)
        q_code = _pack_bits(qb)
        k_code = _pack_bits(kb)
        trie_match = jnp.all(q_code[:, :, None, :] == k_code[:, None, :, :], axis=-1)
        # Intersection within the dim group, union (merge) across groups
        combined = combined | (lsh_match & wm_match & trie_match)
    return combined


def reference(query_features, key_features, head_idx, lsh_proj_g0, lsh_proj_g1):
    mask = _candidate_mask(query_features, key_features, (lsh_proj_g0, lsh_proj_g1))
    # select_top_k_candidates_for_query: rank candidates by key.query similarity, keep k_max
    scores = jnp.einsum('bqd,bkd->bqk', query_features, key_features)
    neg = jnp.finfo(scores.dtype).min
    masked = jnp.where(mask, scores, neg)
    top_vals, top_idx = jax.lax.top_k(masked, K_MAX)
    candidates = jnp.where(top_vals > neg, top_idx, -1).astype(jnp.int32)
    return candidates, top_vals

if __name__ == "__main__":
    import jax
    _d = setup_inputs()
    print(jax.jit(kernel)(*tuple(_d.values())))

</pallas_src>

<mosaic_0001>
#map = affine_map<(d0, d1) -> (0, 0, 0)>
#map1 = affine_map<(d0, d1) -> (0)>
module attributes {stable_mosaic.version = 14 : i64} {
  func.func @_sc_screen_body(%arg0: i32, %arg1: i32, %arg2: memref<2x1x2048xi32, #tpu.memory_space<hbm>>, %arg3: memref<2x1x2048xi32, #tpu.memory_space<hbm>>, %arg4: memref<2x1x2048xi32, #tpu.memory_space<hbm>>, %arg5: memref<2x1x2048xi32, #tpu.memory_space<hbm>>, %arg6: memref<512xi32, #tpu.memory_space<hbm>>, %arg7: memref<2048xi32, #tpu.memory_space<vmem>>, %arg8: memref<2048xi32, #tpu.memory_space<vmem>>, %arg9: memref<128xi32, #tpu.memory_space<vmem>>, %arg10: memref<128xi32, #tpu.memory_space<vmem>>, %arg11: memref<16384xi32, #tpu.memory_space<vmem>>, %arg12: memref<16384xi32, #tpu.memory_space<vmem>>, %arg13: memref<16384xi32, #tpu.memory_space<vmem>>, %arg14: memref<16384xi32, #tpu.memory_space<vmem>>, %arg15: memref<128xi32, #tpu.memory_space<vmem>>, %arg16: memref<!tpu.dma_semaphore, #tpu.memory_space<semaphore_mem>>, %arg17: memref<!tpu.dma_semaphore, #tpu.memory_space<semaphore_mem>>, %arg18: memref<!tpu.dma_semaphore, #tpu.memory_space<semaphore_mem>>, %arg19: memref<!tpu.dma_semaphore, #tpu.memory_space<semaphore_mem>>) attributes {dimension_semantics = [#tpu.dimension_semantics<core_parallel>, #tpu.dimension_semantics<subcore_parallel>], iteration_bounds = array<i64: 2, 16>, scalar_prefetch = 0 : i64, scratch_operands = 13 : i64, tpu.core_type = #tpu.core_type<sc_vector_subcore>, window_params = [{transform_indices = #map}, {transform_indices = #map}, {transform_indices = #map}, {transform_indices = #map}, {transform_indices = #map1}]} {
    %mul3A = arith.constant 128 : i32
    %mul3A_0 = arith.muli %arg1, %mul3A : i32
    %multiple_of3A = tpu.assume_multiple %mul3A_0, 128 : i32
    %iota3A = tpu.iota {dimensions = array<i32: 0>} : vector<16xi32>
    %dma_start3A = arith.constant 0 : i32
    %dma_start3A_1 = arith.constant 0 : i32
    %dma_start3A_2 = tpu.memref_slice %arg4[%arg0, %dma_start3A, %dma_start3A_1] : memref<2x1x2048xi32, #tpu.memory_space<hbm>> -> memref<1x1x2048xi32, #tpu.memory_space<hbm>>
    %dma_start3A_3 = tpu.memref_squeeze %dma_start3A_2 : memref<1x1x2048xi32, #tpu.memory_space<hbm>> -> memref<2048xi32, #tpu.memory_space<hbm>>
    %dma_start3A_4 = arith.constant 0 : i32
    %dma_start3A_5 = tpu.memref_slice %arg4[%arg0, %dma_start3A, %dma_start3A_4] : memref<2x1x2048xi32, #tpu.memory_space<hbm>> -> memref<1x1x2048xi32, #tpu.memory_space<hbm>>
    %dma_start3A_6 = tpu.memref_squeeze %dma_start3A_5 : memref<1x1x2048xi32, #tpu.memory_space<hbm>> -> memref<2048xi32, #tpu.memory_space<hbm>>
    tpu.enqueue_dma source(%dma_start3A_6 : memref<2048xi32, #tpu.memory_space<hbm>>) target(%arg7 : memref<2048xi32, #tpu.memory_space<vmem>>) target_semaphore(%arg16 : memref<!tpu.dma_semaphore, #tpu.memory_space<semaphore_mem>>)
    %dma_start3A_7 = arith.constant 0 : i32
    %dma_start3A_8 = arith.constant 0 : i32
    %dma_start3A_9 = tpu.memref_slice %arg5[%arg0, %dma_start3A_7, %dma_start3A_8] : memref<2x1x2048xi32, #tpu.memory_space<hbm>> -> memref<1x1x2048xi32, #tpu.memory_space<hbm>>
    %dma_start3A_10 = tpu.memref_squeeze %dma_start3A_9 : memref<1x1x2048xi32, #tpu.memory_space<hbm>> -> memref<2048xi32, #tpu.memory_space<hbm>>
    %dma_start3A_11 = arith.constant 0 : i32
    %dma_start3A_12 = tpu.memref_slice %arg5[%arg0, %dma_start3A_7, %dma_start3A_11] : memref<2x1x2048xi32, #tpu.memory_space<hbm>> -> memref<1x1x2048xi32, #tpu.memory_space<hbm>>
    %dma_start3A_13 = tpu.memref_squeeze %dma_start3A_12 : memref<1x1x2048xi32, #tpu.memory_space<hbm>> -> memref<2048xi32, #tpu.memory_space<hbm>>
    tpu.enqueue_dma source(%dma_start3A_13 : memref<2048xi32, #tpu.memory_space<hbm>>) target(%arg8 : memref<2048xi32, #tpu.memory_space<vmem>>) target_semaphore(%arg17 : memref<!tpu.dma_semaphore, #tpu.memory_space<semaphore_mem>>)
    %dma_start3A_14 = arith.constant 0 : i32
    %dma_start3A_15 = tpu.memref_slice %arg2[%arg0, %dma_start3A_14, %multiple_of3A] : memref<2x1x2048xi32, #tpu.memory_space<hbm>> -> memref<1x1x128xi32, #tpu.memory_space<hbm>>
    %dma_start3A_16 = tpu.memref_squeeze %dma_start3A_15 : memref<1x1x128xi32, #tpu.memory_space<hbm>> -> memref<128xi32, #tpu.memory_space<hbm>>
    %dma_start3A_17 = tpu.memref_slice %arg2[%arg0, %dma_start3A_14, %multiple_of3A] : memref<2x1x2048xi32, #tpu.memory_space<hbm>> -> memref<1x1x128xi32, #tpu.memory_space<hbm>>
    %dma_start3A_18 = tpu.memref_squeeze %dma_start3A_17 : memref<1x1x128xi32, #tpu.memory_space<hbm>> -> memref<128xi32, #tpu.memory_space<hbm>>
    tpu.enqueue_dma source(%dma_start3A_18 : memref<128xi32, #tpu.memory_space<hbm>>) target(%arg9 : memref<128xi32, #tpu.memory_space<vmem>>) target_semaphore(%arg18 : memref<!tpu.dma_semaphore, #tpu.memory_space<semaphore_mem>>)
    %dma_start3A_19 = arith.constant 0 : i32
    %dma_start3A_20 = tpu.memref_slice %arg3[%arg0, %dma_start3A_19, %multiple_of3A] : memref<2x1x2048xi32, #tpu.memory_space<hbm>> -> memref<1x1x128xi32, #tpu.memory_space<hbm>>
    %dma_start3A_21 = tpu.memref_squeeze %dma_start3A_20 : memref<1x1x128xi32, #tpu.memory_space<hbm>> -> memref<128xi32, #tpu.memory_space<hbm>>
    %dma_start3A_22 = tpu.memref_slice %arg3[%arg0, %dma_start3A_19, %multiple_of3A] : memref<2x1x2048xi32, #tpu.memory_space<hbm>> -> memref<1x1x128xi32, #tpu.memory_space<hbm>>
    %dma_start3A_23 = tpu.memref_squeeze %dma_start3A_22 : memref<1x1x128xi32, #tpu.memory_space<hbm>> -> memref<128xi32, #tpu.memory_space<hbm>>
    tpu.enqueue_dma source(%dma_start3A_23 : memref<128xi32, #tpu.memory_space<hbm>>) target(%arg10 : memref<128xi32, #tpu.memory_space<vmem>>) target_semaphore(%arg19 : memref<!tpu.dma_semaphore, #tpu.memory_space<semaphore_mem>>)
    %broadcast_in_dim3A = arith.constant 0 : i32
    %broadcast_in_dim3A_24 = vector.broadcast %broadcast_in_dim3A : i32 to vector<16xi32>
    "tpu.trace_start"() <{level = 10 : i32, message = "sc_zero"}> : () -> ()
    %scan3A = arith.constant 0 : i32
    %scan3A_25 = arith.constant 0 : i32
    %scan3A_26 = arith.constant 128 : i32
    %scan3A_27 = arith.addi %scan3A_25, %scan3A_26 : i32
    %scan3A_28 = arith.constant 1 : i32
    %scan3A_29 = scf.for %scan3A_91 = %scan3A_25 to %scan3A_27 step %scan3A_28 iter_args(%scan3A_92 = %scan3A) -> (i32)  : i32 {
      %mul3A_93 = arith.constant 128 : i32
      %mul3A_94 = arith.muli %scan3A_91, %mul3A_93 : i32
      %add3A_95 = arith.constant 0 : i32
      %add3A_96 = arith.addi %mul3A_94, %add3A_95 : i32
      %multiple_of3A_97 = tpu.assume_multiple %add3A_96, 16 : i32
      %swap3A_98 = arith.index_cast %multiple_of3A_97 : i32 to index
      %swap3A_99 = tpu.vector_load %arg13[%swap3A_98] {strides = array<i32>} : memref<16384xi32, #tpu.memory_space<vmem>>, vector<16xi32>,
      tpu.vector_store %arg13[%swap3A_98], %broadcast_in_dim3A_24 {strides = array<i32>} : memref<16384xi32, #tpu.memory_space<vmem>>, vector<16xi32>,
      %swap3A_100 = arith.index_cast %multiple_of3A_97 : i32 to index
      %swap3A_101 = tpu.vector_load %arg14[%swap3A_100] {strides = array<i32>} : memref<16384xi32, #tpu.memory_space<vmem>>, vector<16xi32>,
      tpu.vector_store %arg14[%swap3A_100], %broadcast_in_dim3A_24 {strides = array<i32>} : memref<16384xi32, #tpu.memory_space<vmem>>, vector<16xi32>,
      %mul3A_102 = arith.constant 128 : i32
      %mul3A_103 = arith.muli %scan3A_91, %mul3A_102 : i32
      %add3A_104 = arith.constant 16 : i32
      %add3A_105 = arith.addi %mul3A_103, %add3A_104 : i32
      %multiple_of3A_106 = tpu.assume_multiple %add3A_105, 16 : i32
      %swap3A_107 = arith.index_cast %multiple_of3A_106 : i32 to index
      %swap3A_108 = tpu.vector_load %arg13[%swap3A_107] {strides = array<i32>} : memref<16384xi32, #tpu.memory_space<vmem>>, vector<16xi32>,
      tpu.vector_store %arg13[%swap3A_107], %broadcast_in_dim3A_24 {strides = array<i32>} : memref<16384xi32, #tpu.memory_space<vmem>>, vector<16xi32>,
      %swap3A_109 = arith.index_cast %multiple_of3A_106 : i32 to index
      %swap3A_110 = tpu.vector_load %arg14[%swap3A_109] {strides = array<i32>} : memref<16384xi32, #tpu.memory_space<vmem>>, vector<16xi32>,
      tpu.vector_store %arg14[%swap3A_109], %broadcast_in_dim3A_24 {strides = array<i32>} : memref<16384xi32, #tpu.memory_space<vmem>>, vector<16xi32>,
      %mul3A_111 = arith.constant 128 : i32
      %mul3A_112 = arith.muli %scan3A_91, %mul3A_111 : i32
      %add3A_113 = arith.constant 32 : i32
      %add3A_114 = arith.addi %mul3A_112, %add3A_113 : i32
      %multiple_of3A_115 = tpu.assume_multiple %add3A_114, 16 : i32
      %swap3A_116 = arith.index_cast %multiple_of3A_115 : i32 to index
      %swap3A_117 = tpu.vector_load %arg13[%swap3A_116] {strides = array<i32>} : memref<16384xi32, #tpu.memory_space<vmem>>, vector<16xi32>,
      tpu.vector_store %arg13[%swap3A_116], %broadcast_in_dim3A_24 {strides = array<i32>} : memref<16384xi32, #tpu.memory_space<vmem>>, vector<16xi32>,
      %swap3A_118 = arith.index_cast %multiple_of3A_115 : i32 to index
      %swap3A_119 = tpu.vector_load %arg14[%swap3A_118] {strides = array<i32>} : memref<16384xi32, #tpu.memory_space<vmem>>, vector<16xi32>,
      tpu.vector_store %arg14[%swap3A_118], %broadcast_in_dim3A_24 {strides = array<i32>} : memref<16384xi32, #tpu.memory_space<vmem>>, vector<16xi32>,
      %mul3A_120 = arith.constant 128 : i32
      %mul3A_121 = arith.muli %scan3A_91, %mul3A_120 : i32
      %add3A_122 = arith.constant 48 : i32
      %add3A_123 = arith.addi %mul3A_121, %add3A_122 : i32
      %multiple_of3A_124 = tpu.assume_multiple %add3A_123, 16 : i32
      %swap3A_125 = arith.index_cast %multiple_of3A_124 : i32 to index
      %swap3A_126 = tpu.vector_load %arg13[%swap3A_125] {strides = array<i32>} : memref<16384xi32, #tpu.memory_space<vmem>>, vector<16xi32>,
      tpu.vector_store %arg13[%swap3A_125], %broadcast_in_dim3A_24 {strides = array<i32>} : memref<16384xi32, #tpu.memory_space<vmem>>, vector<16xi32>,
      %swap3A_127 = arith.index_cast %multiple_of3A_124 : i32 to index
      %swap3A_128 = tpu.vector_load %arg14[%swap3A_127] {strides = array<i32>} : memref<16384xi32, #tpu.memory_space<vmem>>, vector<16xi32>,
      tpu.vector_store %arg14[%swap3A_127], %broadcast_in_dim3A_24 {strides = array<i32>} : memref<16384xi32, #tpu.memory_space<vmem>>, vector<16xi32>,
      %mul3A_129 = arith.constant 128 : i32
      %mul3A_130 = arith.muli %scan3A_91, %mul3A_129 : i32
      %add3A_131 = arith.constant 64 : i32
      %add3A_132 = arith.addi %mul3A_130, %add3A_131 : i32
      %multiple_of3A_133 = tpu.assume_multiple %add3A_132, 16 : i32
      %swap3A_134 = arith.index_cast %multiple_of3A_133 : i32 to index
      %swap3A_135 = tpu.vector_load %arg13[%swap3A_134] {strides = array<i32>} : memref<16384xi32, #tpu.memory_space<vmem>>, vector<16xi32>,
      tpu.vector_store %arg13[%swap3A_134], %broadcast_in_dim3A_24 {strides = array<i32>} : memref<16384xi32, #tpu.memory_space<vmem>>, vector<16xi32>,
      %swap3A_136 = arith.index_cast %multiple_of3A_133 : i32 to index
      %swap3A_137 = tpu.vector_load %arg14[%swap3A_136] {strides = array<i32>} : memref<16384xi32, #tpu.memory_space<vmem>>, vector<16xi32>,
      tpu.vector_store %arg14[%swap3A_136], %broadcast_in_dim3A_24 {strides = array<i32>} : memref<16384xi32, #tpu.memory_space<vmem>>, vector<16xi32>,
      %mul3A_138 = arith.constant 128 : i32
      %mul3A_139 = arith.muli %scan3A_91, %mul3A_138 : i32
      %add3A_140 = arith.constant 80 : i32
      %add3A_141 = arith.addi %mul3A_139, %add3A_140 : i32
      %multiple_of3A_142 = tpu.assume_multiple %add3A_141, 16 : i32
      %swap3A_143 = arith.index_cast %multiple_of3A_142 : i32 to index
      %swap3A_144 = tpu.vector_load %arg13[%swap3A_143] {strides = array<i32>} : memref<16384xi32, #tpu.memory_space<vmem>>, vector<16xi32>,
      tpu.vector_store %arg13[%swap3A_143], %broadcast_in_dim3A_24 {strides = array<i32>} : memref<16384xi32, #tpu.memory_space<vmem>>, vector<16xi32>,
      %swap3A_145 = arith.index_cast %multiple_of3A_142 : i32 to index
      %swap3A_146 = tpu.vector_load %arg14[%swap3A_145] {strides = array<i32>} : memref<16384xi32, #tpu.memory_space<vmem>>, vector<16xi32>,
      tpu.vector_store %arg14[%swap3A_145], %broadcast_in_dim3A_24 {strides = array<i32>} : memref<16384xi32, #tpu.memory_space<vmem>>, vector<16xi32>,
      %mul3A_147 = arith.constant 128 : i32
      %mul3A_148 = arith.muli %scan3A_91, %mul3A_147 : i32
      %add3A_149 = arith.constant 96 : i32
      %add3A_150 = arith.addi %mul3A_148, %add3A_149 : i32
      %multiple_of3A_151 = tpu.assume_multiple %add3A_150, 16 : i32
      %swap3A_152 = arith.index_cast %multiple_of3A_151 : i32 to index
      %swap3A_153 = tpu.vector_load %arg13[%swap3A_152] {strides = array<i32>} : memref<16384xi32, #tpu.memory_space<vmem>>, vector<16xi32>,
      tpu.vector_store %arg13[%swap3A_152], %broadcast_in_dim3A_24 {strides = array<i32>} : memref<16384xi32, #tpu.memory_space<vmem>>, vector<16xi32>,
      %swap3A_154 = arith.index_cast %multiple_of3A_151 : i32 to index
      %swap3A_155 = tpu.vector_load %arg14[%swap3A_154] {strides = array<i32>} : memref<16384xi32, #tpu.memory_space<vmem>>, vector<16xi32>,
      tpu.vector_store %arg14[%swap3A_154], %broadcast_in_dim3A_24 {strides = array<i32>} : memref<16384xi32, #tpu.memory_space<vmem>>, vector<16xi32>,
      %mul3A_156 = arith.constant 128 : i32
      %mul3A_157 = arith.muli %scan3A_91, %mul3A_156 : i32
      %add3A_158 = arith.constant 112 : i32
      %add3A_159 = arith.addi %mul3A_157, %add3A_158 : i32
      %multiple_of3A_160 = tpu.assume_multiple %add3A_159, 16 : i32
      %swap3A_161 = arith.index_cast %multiple_of3A_160 : i32 to index
      %swap3A_162 = tpu.vector_load %arg13[%swap3A_161] {strides = array<i32>} : memref<16384xi32, #tpu.memory_space<vmem>>, vector<16xi32>,
      tpu.vector_store %arg13[%swap3A_161], %broadcast_in_dim3A_24 {strides = array<i32>} : memref<16384xi32, #tpu.memory_space<vmem>>, vector<16xi32>,
      %swap3A_163 = arith.index_cast %multiple_of3A_160 : i32 to index
      %swap3A_164 = tpu.vector_load %arg14[%swap3A_163] {strides = array<i32>} : memref<16384xi32, #tpu.memory_space<vmem>>, vector<16xi32>,
      tpu.vector_store %arg14[%swap3A_163], %broadcast_in_dim3A_24 {strides = array<i32>} : memref<16384xi32, #tpu.memory_space<vmem>>, vector<16xi32>,
      %scan3A_165 = arith.constant 0 : i32
      scf.yield %scan3A_165 : i32
    }
    %scan3A_30 = arith.constant 128 : i32
    %dma_wait3A = arith.constant 0 : i32
    "tpu.trace_stop"() : () -> ()
    %dma_wait3A_31 = arith.constant 0 : i32
    %dma_wait3A_32 = tpu.memref_slice %arg4[%arg0, %dma_wait3A, %dma_wait3A_31] : memref<2x1x2048xi32, #tpu.memory_space<hbm>> -> memref<1x1x2048xi32, #tpu.memory_space<hbm>>
    %dma_wait3A_33 = tpu.memref_squeeze %dma_wait3A_32 : memref<1x1x2048xi32, #tpu.memory_space<hbm>> -> memref<2048xi32, #tpu.memory_space<hbm>>
    %dma_wait3A_34 = arith.constant 0 : i32
    %dma_wait3A_35 = tpu.memref_slice %arg4[%arg0, %dma_wait3A, %dma_wait3A_34] : memref<2x1x2048xi32, #tpu.memory_space<hbm>> -> memref<1x1x2048xi32, #tpu.memory_space<hbm>>
    %dma_wait3A_36 = tpu.memref_squeeze %dma_wait3A_35 : memref<1x1x2048xi32, #tpu.memory_space<hbm>> -> memref<2048xi32, #tpu.memory_space<hbm>>
    tpu.wait_dma2 semaphore(%arg16 : memref<!tpu.dma_semaphore, #tpu.memory_space<semaphore_mem>>) src(%dma_wait3A_36 : memref<2048xi32, #tpu.memory_space<hbm>>) dst(%arg7 : memref<2048xi32, #tpu.memory_space<vmem>>)
    %dma_wait3A_37 = arith.constant 0 : i32
    %dma_wait3A_38 = arith.constant 0 : i32
    %dma_wait3A_39 = tpu.memref_slice %arg5[%arg0, %dma_wait3A_37, %dma_wait3A_38] : memref<2x1x2048xi32, #tpu.memory_space<hbm>> -> memref<1x1x2048xi32, #tpu.memory_space<hbm>>
    %dma_wait3A_40 = tpu.memref_squeeze %dma_wait3A_39 : memref<1x1x2048xi32, #tpu.memory_space<hbm>> -> memref<2048xi32, #tpu.memory_space<hbm>>
    %dma_wait3A_41 = arith.constant 0 : i32
    %dma_wait3A_42 = tpu.memref_slice %arg5[%arg0, %dma_wait3A_37, %dma_wait3A_41] : memref<2x1x2048xi32, #tpu.memory_space<hbm>> -> memref<1x1x2048xi32, #tpu.memory_space<hbm>>
    %dma_wait3A_43 = tpu.memref_squeeze %dma_wait3A_42 : memref<1x1x2048xi32, #tpu.memory_space<hbm>> -> memref<2048xi32, #tpu.memory_space<hbm>>
    tpu.wait_dma2 semaphore(%arg17 : memref<!tpu.dma_semaphore, #tpu.memory_space<semaphore_mem>>) src(%dma_wait3A_43 : memref<2048xi32, #tpu.memory_space<hbm>>) dst(%arg8 : memref<2048xi32, #tpu.memory_space<vmem>>)
    %dma_wait3A_44 = arith.constant 0 : i32
    %dma_wait3A_45 = tpu.memref_slice %arg2[%arg0, %dma_wait3A_44, %multiple_of3A] : memref<2x1x2048xi32, #tpu.memory_space<hbm>> -> memref<1x1x128xi32, #tpu.memory_space<hbm>>
    %dma_wait3A_46 = tpu.memref_squeeze %dma_wait3A_45 : memref<1x1x128xi32, #tpu.memory_space<hbm>> -> memref<128xi32, #tpu.memory_space<hbm>>
    %dma_wait3A_47 = tpu.memref_slice %arg2[%arg0, %dma_wait3A_44, %multiple_of3A] : memref<2x1x2048xi32, #tpu.memory_space<hbm>> -> memref<1x1x128xi32, #tpu.memory_space<hbm>>
    %dma_wait3A_48 = tpu.memref_squeeze %dma_wait3A_47 : memref<1x1x128xi32, #tpu.memory_space<hbm>> -> memref<128xi32, #tpu.memory_space<hbm>>
    tpu.wait_dma2 semaphore(%arg18 : memref<!tpu.dma_semaphore, #tpu.memory_space<semaphore_mem>>) src(%dma_wait3A_48 : memref<128xi32, #tpu.memory_space<hbm>>) dst(%arg9 : memref<128xi32, #tpu.memory_space<vmem>>)
    %dma_wait3A_49 = arith.constant 0 : i32
    %dma_wait3A_50 = tpu.memref_slice %arg3[%arg0, %dma_wait3A_49, %multiple_of3A] : memref<2x1x2048xi32, #tpu.memory_space<hbm>> -> memref<1x1x128xi32, #tpu.memory_space<hbm>>
    %dma_wait3A_51 = tpu.memref_squeeze %dma_wait3A_50 : memref<1x1x128xi32, #tpu.memory_space<hbm>> -> memref<128xi32, #tpu.memory_space<hbm>>
    %dma_wait3A_52 = tpu.memref_slice %arg3[%arg0, %dma_wait3A_49, %multiple_of3A] : memref<2x1x2048xi32, #tpu.memory_space<hbm>> -> memref<1x1x128xi32, #tpu.memory_space<hbm>>
    %dma_wait3A_53 = tpu.memref_squeeze %dma_wait3A_52 : memref<1x1x128xi32, #tpu.memory_space<hbm>> -> memref<128xi32, #tpu.memory_space<hbm>>
    tpu.wait_dma2 semaphore(%arg19 : memref<!tpu.dma_semaphore, #tpu.memory_space<semaphore_mem>>) src(%dma_wait3A_53 : memref<128xi32, #tpu.memory_space<hbm>>) dst(%arg10 : memref<128xi32, #tpu.memory_space<vmem>>)
    "tpu.trace_start"() <{level = 10 : i32, message = "sc_build"}> : () -> ()
    %scan3A_54 = arith.constant 0 : i32
    %scan3A_55 = arith.constant 0 : i32
    %scan3A_56 = arith.constant 32 : i32
    %scan3A_57 = arith.addi %scan3A_55, %scan3A_56 : i32
    %scan3A_58 = arith.constant 1 : i32
    %scan3A_59 = scf.for %scan3A_91 = %scan3A_55 to %scan3A_57 step %scan3A_58 iter_args(%scan3A_92 = %scan3A_54) -> (i32)  : i32 {
      %mul3A_93 = arith.constant 16 : i32
      %mul3A_94 = arith.muli %scan3A_91, %mul3A_93 : i32
      %mul3A_95 = arith.constant 4 : i32
      %mul3A_96 = arith.muli %mul3A_94, %mul3A_95 : i32
      %add3A_97 = arith.constant 0 : i32
      %add3A_98 = arith.addi %mul3A_96, %add3A_97 : i32
      %multiple_of3A_99 = tpu.assume_multiple %add3A_98, 16 : i32
      %get3A = arith.index_cast %multiple_of3A_99 : i32 to index
      %get3A_100 = tpu.vector_load %arg7[%get3A] {strides = array<i32>} : memref<2048xi32, #tpu.memory_space<vmem>>, vector<16xi32>,
      %get3A_101 = arith.index_cast %multiple_of3A_99 : i32 to index
      %get3A_102 = tpu.vector_load %arg8[%get3A_101] {strides = array<i32>} : memref<2048xi32, #tpu.memory_space<vmem>>, vector<16xi32>,
      %and3A = arith.constant 16383 : i32
      %and3A_103 = vector.broadcast %and3A : i32 to vector<16xi32>
      %and3A_104 = arith.andi %get3A_100, %and3A_103 : vector<16xi32>
      tpu.vector_store_idx %arg11[%and3A_104], %get3A_100 : memref<16384xi32, #tpu.memory_space<vmem>>[vector<16xi32>], vector<16xi32>,
      %and3A_105 = arith.constant 16383 : i32
      %and3A_106 = vector.broadcast %and3A_105 : i32 to vector<16xi32>
      %and3A_107 = arith.andi %get3A_102, %and3A_106 : vector<16xi32>
      tpu.vector_store_idx %arg12[%and3A_107], %get3A_102 : memref<16384xi32, #tpu.memory_space<vmem>>[vector<16xi32>], vector<16xi32>,
      %mul3A_108 = arith.constant 16 : i32
      %mul3A_109 = arith.muli %scan3A_91, %mul3A_108 : i32
      %mul3A_110 = arith.constant 4 : i32
      %mul3A_111 = arith.muli %mul3A_109, %mul3A_110 : i32
      %add3A_112 = arith.constant 16 : i32
      %add3A_113 = arith.addi %mul3A_111, %add3A_112 : i32
      %multiple_of3A_114 = tpu.assume_multiple %add3A_113, 16 : i32
      %get3A_115 = arith.index_cast %multiple_of3A_114 : i32 to index
      %get3A_116 = tpu.vector_load %arg7[%get3A_115] {strides = array<i32>} : memref<2048xi32, #tpu.memory_space<vmem>>, vector<16xi32>,
      %get3A_117 = arith.index_cast %multiple_of3A_114 : i32 to index
      %get3A_118 = tpu.vector_load %arg8[%get3A_117] {strides = array<i32>} : memref<2048xi32, #tpu.memory_space<vmem>>, vector<16xi32>,
      %and3A_119 = arith.constant 16383 : i32
      %and3A_120 = vector.broadcast %and3A_119 : i32 to vector<16xi32>
      %and3A_121 = arith.andi %get3A_116, %and3A_120 : vector<16xi32>
      tpu.vector_store_idx %arg11[%and3A_121], %get3A_116 : memref<16384xi32, #tpu.memory_space<vmem>>[vector<16xi32>], vector<16xi32>,
      %and3A_122 = arith.constant 16383 : i32
      %and3A_123 = vector.broadcast %and3A_122 : i32 to vector<16xi32>
      %and3A_124 = arith.andi %get3A_118, %and3A_123 : vector<16xi32>
      tpu.vector_store_idx %arg12[%and3A_124], %get3A_118 : memref<16384xi32, #tpu.memory_space<vmem>>[vector<16xi32>], vector<16xi32>,
      %mul3A_125 = arith.constant 16 : i32
      %mul3A_126 = arith.muli %scan3A_91, %mul3A_125 : i32
      %mul3A_127 = arith.constant 4 : i32
      %mul3A_128 = arith.muli %mul3A_126, %mul3A_127 : i32
      %add3A_129 = arith.constant 32 : i32
      %add3A_130 = arith.addi %mul3A_128, %add3A_129 : i32
      %multiple_of3A_131 = tpu.assume_multiple %add3A_130, 16 : i32
      %get3A_132 = arith.index_cast %multiple_of3A_131 : i32 to index
      %get3A_133 = tpu.vector_load %arg7[%get3A_132] {strides = array<i32>} : memref<2048xi32, #tpu.memory_space<vmem>>, vector<16xi32>,
      %get3A_134 = arith.index_cast %multiple_of3A_131 : i32 to index
      %get3A_135 = tpu.vector_load %arg8[%get3A_134] {strides = array<i32>} : memref<2048xi32, #tpu.memory_space<vmem>>, vector<16xi32>,
      %and3A_136 = arith.constant 16383 : i32
      %and3A_137 = vector.broadcast %and3A_136 : i32 to vector<16xi32>
      %and3A_138 = arith.andi %get3A_133, %and3A_137 : vector<16xi32>
      tpu.vector_store_idx %arg11[%and3A_138], %get3A_133 : memref<16384xi32, #tpu.memory_space<vmem>>[vector<16xi32>], vector<16xi32>,
      %and3A_139 = arith.constant 16383 : i32
      %and3A_140 = vector.broadcast %and3A_139 : i32 to vector<16xi32>
      %and3A_141 = arith.andi %get3A_135, %and3A_140 : vector<16xi32>
      tpu.vector_store_idx %arg12[%and3A_141], %get3A_135 : memref<16384xi32, #tpu.memory_space<vmem>>[vector<16xi32>], vector<16xi32>,
      %mul3A_142 = arith.constant 16 : i32
      %mul3A_143 = arith.muli %scan3A_91, %mul3A_142 : i32
      %mul3A_144 = arith.constant 4 : i32
      %mul3A_145 = arith.muli %mul3A_143, %mul3A_144 : i32
      %add3A_146 = arith.constant 48 : i32
      %add3A_147 = arith.addi %mul3A_145, %add3A_146 : i32
      %multiple_of3A_148 = tpu.assume_multiple %add3A_147, 16 : i32
      %get3A_149 = arith.index_cast %multiple_of3A_148 : i32 to index
      %get3A_150 = tpu.vector_load %arg7[%get3A_149] {strides = array<i32>} : memref<2048xi32, #tpu.memory_space<vmem>>, vector<16xi32>,
      %get3A_151 = arith.index_cast %multiple_of3A_148 : i32 to index
      %get3A_152 = tpu.vector_load %arg8[%get3A_151] {strides = array<i32>} : memref<2048xi32, #tpu.memory_space<vmem>>, vector<16xi32>,
      %and3A_153 = arith.constant 16383 : i32
      %and3A_154 = vector.broadcast %and3A_153 : i32 to vector<16xi32>
      %and3A_155 = arith.andi %get3A_150, %and3A_154 : vector<16xi32>
      tpu.vector_store_idx %arg11[%and3A_155], %get3A_150 : memref<16384xi32, #tpu.memory_space<vmem>>[vector<16xi32>], vector<16xi32>,
      %and3A_156 = arith.constant 16383 : i32
      %and3A_157 = vector.broadcast %and3A_156 : i32 to vector<16xi32>
      %and3A_158 = arith.andi %get3A_152, %and3A_157 : vector<16xi32>
      tpu.vector_store_idx %arg12[%and3A_158], %get3A_152 : memref<16384xi32, #tpu.memory_space<vmem>>[vector<16xi32>], vector<16xi32>,
      %scan3A_159 = arith.constant 0 : i32
      scf.yield %scan3A_159 : i32
    }
    %scan3A_60 = arith.constant 32 : i32
    %broadcast_in_dim3A_61 = arith.constant 1 : i32
    "tpu.trace_stop"() : () -> ()
    %broadcast_in_dim3A_62 = vector.broadcast %broadcast_in_dim3A_61 : i32 to vector<16xi32>
    "tpu.trace_start"() <{level = 10 : i32, message = "sc_contest"}> : () -> ()
    %scan3A_63 = arith.constant 0 : i32
    %scan3A_64 = arith.constant 0 : i32
    %scan3A_65 = arith.constant 32 : i32
    %scan3A_66 = arith.addi %scan3A_64, %scan3A_65 : i32
    %scan3A_67 = arith.constant 1 : i32
    %scan3A_68 = scf.for %scan3A_91 = %scan3A_64 to %scan3A_66 step %scan3A_67 iter_args(%scan3A_92 = %scan3A_63) -> (i32)  : i32 {
      %mul3A_93 = arith.constant 16 : i32
      %mul3A_94 = arith.muli %scan3A_91, %mul3A_93 : i32
      %mul3A_95 = arith.constant 4 : i32
      %mul3A_96 = arith.muli %mul3A_94, %mul3A_95 : i32
      %add3A_97 = arith.constant 0 : i32
      %add3A_98 = arith.addi %mul3A_96, %add3A_97 : i32
      %multiple_of3A_99 = tpu.assume_multiple %add3A_98, 16 : i32
      %get3A = arith.index_cast %multiple_of3A_99 : i32 to index
      %get3A_100 = tpu.vector_load %arg7[%get3A] {strides = array<i32>} : memref<2048xi32, #tpu.memory_space<vmem>>, vector<16xi32>,
      %get3A_101 = arith.index_cast %multiple_of3A_99 : i32 to index
      %get3A_102 = tpu.vector_load %arg8[%get3A_101] {strides = array<i32>} : memref<2048xi32, #tpu.memory_space<vmem>>, vector<16xi32>,
      %and3A = arith.constant 16383 : i32
      %and3A_103 = vector.broadcast %and3A : i32 to vector<16xi32>
      %and3A_104 = arith.andi %get3A_100, %and3A_103 : vector<16xi32>
      %and3A_105 = arith.constant 16383 : i32
      %and3A_106 = vector.broadcast %and3A_105 : i32 to vector<16xi32>
      %and3A_107 = arith.andi %get3A_102, %and3A_106 : vector<16xi32>
      %gather3A = tpu.vector_load_idx %arg11[%and3A_104] : memref<16384xi32, #tpu.memory_space<vmem>>[vector<16xi32>], vector<16xi32>,
      %ne3A = arith.cmpi ne, %gather3A, %get3A_100 : vector<16xi32>
      %gather3A_108 = tpu.vector_load_idx %arg12[%and3A_107] : memref<16384xi32, #tpu.memory_space<vmem>>[vector<16xi32>], vector<16xi32>,
      %ne3A_109 = arith.cmpi ne, %gather3A_108, %get3A_102 : vector<16xi32>
      tpu.vector_store_idx %arg13[%and3A_104], %broadcast_in_dim3A_62 masked %ne3A : memref<16384xi32, #tpu.memory_space<vmem>>[vector<16xi32>], vector<16xi32>, vector<16xi1>
      tpu.vector_store_idx %arg14[%and3A_107], %broadcast_in_dim3A_62 masked %ne3A_109 : memref<16384xi32, #tpu.memory_space<vmem>>[vector<16xi32>], vector<16xi32>, vector<16xi1>
      %mul3A_110 = arith.constant 16 : i32
      %mul3A_111 = arith.muli %scan3A_91, %mul3A_110 : i32
      %mul3A_112 = arith.constant 4 : i32
      %mul3A_113 = arith.muli %mul3A_111, %mul3A_112 : i32
      %add3A_114 = arith.constant 16 : i32
      %add3A_115 = arith.addi %mul3A_113, %add3A_114 : i32
      %multiple_of3A_116 = tpu.assume_multiple %add3A_115, 16 : i32
      %get3A_117 = arith.index_cast %multiple_of3A_116 : i32 to index
      %get3A_118 = tpu.vector_load %arg7[%get3A_117] {strides = array<i32>} : memref<2048xi32, #tpu.memory_space<vmem>>, vector<16xi32>,
      %get3A_119 = arith.index_cast %multiple_of3A_116 : i32 to index
      %get3A_120 = tpu.vector_load %arg8[%get3A_119] {strides = array<i32>} : memref<2048xi32, #tpu.memory_space<vmem>>, vector<16xi32>,
      %and3A_121 = arith.constant 16383 : i32
      %and3A_122 = vector.broadcast %and3A_121 : i32 to vector<16xi32>
      %and3A_123 = arith.andi %get3A_118, %and3A_122 : vector<16xi32>
      %and3A_124 = arith.constant 16383 : i32
      %and3A_125 = vector.broadcast %and3A_124 : i32 to vector<16xi32>
      %and3A_126 = arith.andi %get3A_120, %and3A_125 : vector<16xi32>
      %gather3A_127 = tpu.vector_load_idx %arg11[%and3A_123] : memref<16384xi32, #tpu.memory_space<vmem>>[vector<16xi32>], vector<16xi32>,
      %ne3A_128 = arith.cmpi ne, %gather3A_127, %get3A_118 : vector<16xi32>
      %gather3A_129 = tpu.vector_load_idx %arg12[%and3A_126] : memref<16384xi32, #tpu.memory_space<vmem>>[vector<16xi32>], vector<16xi32>,
      %ne3A_130 = arith.cmpi ne, %gather3A_129, %get3A_120 : vector<16xi32>
      tpu.vector_store_idx %arg13[%and3A_123], %broadcast_in_dim3A_62 masked %ne3A_128 : memref<16384xi32, #tpu.memory_space<vmem>>[vector<16xi32>], vector<16xi32>, vector<16xi1>
      tpu.vector_store_idx %arg14[%and3A_126], %broadcast_in_dim3A_62 masked %ne3A_130 : memref<16384xi32, #tpu.memory_space<vmem>>[vector<16xi32>], vector<16xi32>, vector<16xi1>
      %mul3A_131 = arith.constant 16 : i32
      %mul3A_132 = arith.muli %scan3A_91, %mul3A_131 : i32
      %mul3A_133 = arith.constant 4 : i32
      %mul3A_134 = arith.muli %mul3A_132, %mul3A_133 : i32
      %add3A_135 = arith.constant 32 : i32
      %add3A_136 = arith.addi %mul3A_134, %add3A_135 : i32
      %multiple_of3A_137 = tpu.assume_multiple %add3A_136, 16 : i32
      %get3A_138 = arith.index_cast %multiple_of3A_137 : i32 to index
      %get3A_139 = tpu.vector_load %arg7[%get3A_138] {strides = array<i32>} : memref<2048xi32, #tpu.memory_space<vmem>>, vector<16xi32>,
      %get3A_140 = arith.index_cast %multiple_of3A_137 : i32 to index
      %get3A_141 = tpu.vector_load %arg8[%get3A_140] {strides = array<i32>} : memref<2048xi32, #tpu.memory_space<vmem>>, vector<16xi32>,
      %and3A_142 = arith.constant 16383 : i32
      %and3A_143 = vector.broadcast %and3A_142 : i32 to vector<16xi32>
      %and3A_144 = arith.andi %get3A_139, %and3A_143 : vector<16xi32>
      %and3A_145 = arith.constant 16383 : i32
      %and3A_146 = vector.broadcast %and3A_145 : i32 to vector<16xi32>
      %and3A_147 = arith.andi %get3A_141, %and3A_146 : vector<16xi32>
      %gather3A_148 = tpu.vector_load_idx %arg11[%and3A_144] : memref<16384xi32, #tpu.memory_space<vmem>>[vector<16xi32>], vector<16xi32>,
      %ne3A_149 = arith.cmpi ne, %gather3A_148, %get3A_139 : vector<16xi32>
      %gather3A_150 = tpu.vector_load_idx %arg12[%and3A_147] : memref<16384xi32, #tpu.memory_space<vmem>>[vector<16xi32>], vector<16xi32>,
      %ne3A_151 = arith.cmpi ne, %gather3A_150, %get3A_141 : vector<16xi32>
      tpu.vector_store_idx %arg13[%and3A_144], %broadcast_in_dim3A_62 masked %ne3A_149 : memref<16384xi32, #tpu.memory_space<vmem>>[vector<16xi32>], vector<16xi32>, vector<16xi1>
      tpu.vector_store_idx %arg14[%and3A_147], %broadcast_in_dim3A_62 masked %ne3A_151 : memref<16384xi32, #tpu.memory_space<vmem>>[vector<16xi32>], vector<16xi32>, vector<16xi1>
      %mul3A_152 = arith.constant 16 : i32
      %mul3A_153 = arith.muli %scan3A_91, %mul3A_152 : i32
      %mul3A_154 = arith.constant 4 : i32
      %mul3A_155 = arith.muli %mul3A_153, %mul3A_154 : i32
      %add3A_156 = arith.constant 48 : i32
      %add3A_157 = arith.addi %mul3A_155, %add3A_156 : i32
      %multiple_of3A_158 = tpu.assume_multiple %add3A_157, 16 : i32
      %get3A_159 = arith.index_cast %multiple_of3A_158 : i32 to index
      %get3A_160 = tpu.vector_load %arg7[%get3A_159] {strides = array<i32>} : memref<2048xi32, #tpu.memory_space<vmem>>, vector<16xi32>,
      %get3A_161 = arith.index_cast %multiple_of3A_158 : i32 to index
      %get3A_162 = tpu.vector_load %arg8[%get3A_161] {strides = array<i32>} : memref<2048xi32, #tpu.memory_space<vmem>>, vector<16xi32>,
      %and3A_163 = arith.constant 16383 : i32
      %and3A_164 = vector.broadcast %and3A_163 : i32 to vector<16xi32>
      %and3A_165 = arith.andi %get3A_160, %and3A_164 : vector<16xi32>
      %and3A_166 = arith.constant 16383 : i32
      %and3A_167 = vector.broadcast %and3A_166 : i32 to vector<16xi32>
      %and3A_168 = arith.andi %get3A_162, %and3A_167 : vector<16xi32>
      %gather3A_169 = tpu.vector_load_idx %arg11[%and3A_165] : memref<16384xi32, #tpu.memory_space<vmem>>[vector<16xi32>], vector<16xi32>,
      %ne3A_170 = arith.cmpi ne, %gather3A_169, %get3A_160 : vector<16xi32>
      %gather3A_171 = tpu.vector_load_idx %arg12[%and3A_168] : memref<16384xi32, #tpu.memory_space<vmem>>[vector<16xi32>], vector<16xi32>,
      %ne3A_172 = arith.cmpi ne, %gather3A_171, %get3A_162 : vector<16xi32>
      tpu.vector_store_idx %arg13[%and3A_165], %broadcast_in_dim3A_62 masked %ne3A_170 : memref<16384xi32, #tpu.memory_space<vmem>>[vector<16xi32>], vector<16xi32>, vector<16xi1>
      tpu.vector_store_idx %arg14[%and3A_168], %broadcast_in_dim3A_62 masked %ne3A_172 : memref<16384xi32, #tpu.memory_space<vmem>>[vector<16xi32>], vector<16xi32>, vector<16xi1>
      %scan3A_173 = arith.constant 0 : i32
      scf.yield %scan3A_173 : i32
    }
    %scan3A_69 = arith.constant 32 : i32
    "tpu.trace_stop"() : () -> ()
    "tpu.trace_start"() <{level = 10 : i32, message = "sc_screen"}> : () -> ()
    %scan3A_70 = arith.constant 0 : i32
    %scan3A_71 = arith.constant 0 : i32
    %scan3A_72 = arith.constant 8 : i32
    %scan3A_73 = arith.addi %scan3A_71, %scan3A_72 : i32
    %scan3A_74 = arith.constant 1 : i32
    %scan3A_75 = scf.for %scan3A_91 = %scan3A_71 to %scan3A_73 step %scan3A_74 iter_args(%scan3A_92 = %scan3A_70) -> (i32)  : i32 {
      %mul3A_93 = arith.constant 16 : i32
      %mul3A_94 = arith.muli %scan3A_91, %mul3A_93 : i32
      %multiple_of3A_95 = tpu.assume_multiple %mul3A_94, 16 : i32
      %get3A = arith.index_cast %multiple_of3A_95 : i32 to index
      %get3A_96 = tpu.vector_load %arg9[%get3A] {strides = array<i32>} : memref<128xi32, #tpu.memory_space<vmem>>, vector<16xi32>,
      %get3A_97 = arith.index_cast %multiple_of3A_95 : i32 to index
      %get3A_98 = tpu.vector_load %arg10[%get3A_97] {strides = array<i32>} : memref<128xi32, #tpu.memory_space<vmem>>, vector<16xi32>,
      %and3A = arith.constant 16383 : i32
      %and3A_99 = vector.broadcast %and3A : i32 to vector<16xi32>
      %and3A_100 = arith.andi %get3A_96, %and3A_99 : vector<16xi32>
      %and3A_101 = arith.constant 16383 : i32
      %and3A_102 = vector.broadcast %and3A_101 : i32 to vector<16xi32>
      %and3A_103 = arith.andi %get3A_98, %and3A_102 : vector<16xi32>
      %gather3A = tpu.vector_load_idx %arg11[%and3A_100] : memref<16384xi32, #tpu.memory_space<vmem>>[vector<16xi32>], vector<16xi32>,
      %eq3A = arith.cmpi eq, %gather3A, %get3A_96 : vector<16xi32>
      %gather3A_104 = tpu.vector_load_idx %arg12[%and3A_103] : memref<16384xi32, #tpu.memory_space<vmem>>[vector<16xi32>], vector<16xi32>,
      %eq3A_105 = arith.cmpi eq, %gather3A_104, %get3A_98 : vector<16xi32>
      %gather3A_106 = tpu.vector_load_idx %arg13[%and3A_100] : memref<16384xi32, #tpu.memory_space<vmem>>[vector<16xi32>], vector<16xi32>,
      %gt3A = arith.constant 0 : i32
      %gt3A_107 = vector.broadcast %gt3A : i32 to vector<16xi32>
      %gt3A_108 = arith.cmpi sgt, %gather3A_106, %gt3A_107 : vector<16xi32>
      %gather3A_109 = tpu.vector_load_idx %arg14[%and3A_103] : memref<16384xi32, #tpu.memory_space<vmem>>[vector<16xi32>], vector<16xi32>,
      %gt3A_110 = arith.constant 0 : i32
      %gt3A_111 = vector.broadcast %gt3A_110 : i32 to vector<16xi32>
      %gt3A_112 = arith.cmpi sgt, %gather3A_109, %gt3A_111 : vector<16xi32>
      %or3A = arith.ori %eq3A, %eq3A_105 : vector<16xi1>
      %not3A = arith.constant dense<true> : vector<16xi1>
      %not3A_113 = arith.xori %or3A, %not3A : vector<16xi1>
      %or3A_114 = arith.ori %gt3A_108, %gt3A_112 : vector<16xi1>
      %and3A_115 = arith.andi %not3A_113, %or3A_114 : vector<16xi1>
      %convert_element_type3A = arith.extui %or3A : vector<16xi1> to vector<16xi32>
      %swap3A_116 = arith.index_cast %multiple_of3A_95 : i32 to index
      %swap3A_117 = tpu.vector_load %arg15[%swap3A_116] {strides = array<i32>} : memref<128xi32, #tpu.memory_space<vmem>>, vector<16xi32>,
      tpu.vector_store %arg15[%swap3A_116], %convert_element_type3A {strides = array<i32>} : memref<128xi32, #tpu.memory_space<vmem>>, vector<16xi32>,
      %convert_element_type3A_118 = arith.extui %and3A_115 : vector<16xi1> to vector<16xi32>
      %reduce_sum3A = arith.constant true
      %reduce_sum3A_119 = vector.broadcast %reduce_sum3A : i1 to vector<16xi1>
      %reduce_sum3A_120 = tpu.scan <sum>, %convert_element_type3A_118 masked %reduce_sum3A_119 : vector<16xi32>, vector<16xi1> -> vector<16xi32>
      %reduce_sum3A_121 = vector.extract %reduce_sum3A_120[15] : i32 from vector<16xi32>
      %gt3A_122 = arith.constant 0 : i32
      %gt3A_123 = arith.cmpi sgt, %reduce_sum3A_121, %gt3A_122 : i32
      %convert_element_type3A_124 = arith.extui %gt3A_123 : i1 to i32
      %cond3A = arith.constant 0 : i32
      %cond3A_125 = arith.cmpi ne, %convert_element_type3A_124, %cond3A : i32
      scf.if %cond3A_125 {
        %while3A = scf.while (%while3A_127 = %and3A_115) : (vector<16xi1>) -> vector<16xi1> {
          %convert_element_type3A_128 = arith.extui %while3A_127 : vector<16xi1> to vector<16xi32>
          %reduce_max3A = arith.constant true
          %reduce_max3A_129 = vector.broadcast %reduce_max3A : i1 to vector<16xi1>
          %reduce_max3A_130 = arith.constant -2147483648 : i32
          %reduce_max3A_131 = vector.broadcast %reduce_max3A_130 : i32 to vector<16xi32>
          %reduce_max3A_132 = arith.xori %convert_element_type3A_128, %reduce_max3A_131 : vector<16xi32>
          %reduce_max3A_133 = tpu.scan <max>, %reduce_max3A_132 masked %reduce_max3A_129 : vector<16xi32>, vector<16xi1> -> vector<16xi32>
          %reduce_max3A_134 = arith.xori %reduce_max3A_133, %reduce_max3A_131 : vector<16xi32>
          %reduce_max3A_135 = vector.extract %reduce_max3A_134[15] : i32 from vector<16xi32>
          %gt3A_136 = arith.constant 0 : i32
          %gt3A_137 = arith.cmpi sgt, %reduce_max3A_135, %gt3A_136 : i32
          scf.condition(%gt3A_137) %while3A_127 : vector<16xi1>
        } do {
        ^bb0(%while3A_127: vector<16xi1>):
          %all_reduce_ffs3A = tpu.all_reduce %while3A_127 {dim = 0 : i64, kind = #tpu.reduction_kind<find_first_set>} : vector<16xi1> -> vector<16xi32>
          %broadcast_in_dim3A_128 = arith.constant 0 : i32
          %broadcast_in_dim3A_129 = vector.broadcast %broadcast_in_dim3A_128 : i32 to vector<16xi32>
          %mul3A_130 = arith.constant 16 : i32
          %mul3A_131 = arith.muli %scan3A_91, %mul3A_130 : i32
          %add3A_132 = vector.broadcast %mul3A_131 : i32 to vector<16xi32>
          %add3A_133 = arith.addi %broadcast_in_dim3A_129, %add3A_132 : vector<16xi32>
          %add3A_134 = arith.addi %add3A_133, %all_reduce_ffs3A : vector<16xi32>
          %gather3A_135 = tpu.vector_load_idx %arg9[%add3A_134] : memref<128xi32, #tpu.memory_space<vmem>>[vector<16xi32>], vector<16xi32>,
          %gather3A_136 = tpu.vector_load_idx %arg10[%add3A_134] : memref<128xi32, #tpu.memory_space<vmem>>[vector<16xi32>], vector<16xi32>,
          %broadcast_in_dim3A_137 = arith.constant false
          %broadcast_in_dim3A_138 = vector.broadcast %broadcast_in_dim3A_137 : i1 to vector<16xi1>
          %scan3A_139 = arith.constant 0 : i32
          %scan3A_140 = arith.constant 32 : i32
          %scan3A_141 = arith.addi %scan3A_139, %scan3A_140 : i32
          %scan3A_142 = arith.constant 1 : i32
          %scan3A_143 = scf.for %scan3A_153 = %scan3A_139 to %scan3A_141 step %scan3A_142 iter_args(%scan3A_154 = %broadcast_in_dim3A_138) -> (vector<16xi1>)  : i32 {
            %mul3A_155 = arith.constant 16 : i32
            %mul3A_156 = arith.muli %scan3A_153, %mul3A_155 : i32
            %mul3A_157 = arith.constant 4 : i32
            %mul3A_158 = arith.muli %mul3A_156, %mul3A_157 : i32
            %add3A_159 = arith.constant 0 : i32
            %add3A_160 = arith.addi %mul3A_158, %add3A_159 : i32
            %multiple_of3A_161 = tpu.assume_multiple %add3A_160, 16 : i32
            %get3A_162 = arith.index_cast %multiple_of3A_161 : i32 to index
            %get3A_163 = tpu.vector_load %arg7[%get3A_162] {strides = array<i32>} : memref<2048xi32, #tpu.memory_space<vmem>>, vector<16xi32>,
            %eq3A_164 = arith.cmpi eq, %get3A_163, %gather3A_135 : vector<16xi32>
            %or3A_165 = arith.ori %scan3A_154, %eq3A_164 : vector<16xi1>
            %get3A_166 = arith.index_cast %multiple_of3A_161 : i32 to index
            %get3A_167 = tpu.vector_load %arg8[%get3A_166] {strides = array<i32>} : memref<2048xi32, #tpu.memory_space<vmem>>, vector<16xi32>,
            %eq3A_168 = arith.cmpi eq, %get3A_167, %gather3A_136 : vector<16xi32>
            %or3A_169 = arith.ori %or3A_165, %eq3A_168 : vector<16xi1>
            %mul3A_170 = arith.constant 16 : i32
            %mul3A_171 = arith.muli %scan3A_153, %mul3A_170 : i32
            %mul3A_172 = arith.constant 4 : i32
            %mul3A_173 = arith.muli %mul3A_171, %mul3A_172 : i32
            %add3A_174 = arith.constant 16 : i32
            %add3A_175 = arith.addi %mul3A_173, %add3A_174 : i32
            %multiple_of3A_176 = tpu.assume_multiple %add3A_175, 16 : i32
            %get3A_177 = arith.index_cast %multiple_of3A_176 : i32 to index
            %get3A_178 = tpu.vector_load %arg7[%get3A_177] {strides = array<i32>} : memref<2048xi32, #tpu.memory_space<vmem>>, vector<16xi32>,
            %eq3A_179 = arith.cmpi eq, %get3A_178, %gather3A_135 : vector<16xi32>
            %or3A_180 = arith.ori %or3A_169, %eq3A_179 : vector<16xi1>
            %get3A_181 = arith.index_cast %multiple_of3A_176 : i32 to index
            %get3A_182 = tpu.vector_load %arg8[%get3A_181] {strides = array<i32>} : memref<2048xi32, #tpu.memory_space<vmem>>, vector<16xi32>,
            %eq3A_183 = arith.cmpi eq, %get3A_182, %gather3A_136 : vector<16xi32>
            %or3A_184 = arith.ori %or3A_180, %eq3A_183 : vector<16xi1>
            %mul3A_185 = arith.constant 16 : i32
            %mul3A_186 = arith.muli %scan3A_153, %mul3A_185 : i32
            %mul3A_187 = arith.constant 4 : i32
            %mul3A_188 = arith.muli %mul3A_186, %mul3A_187 : i32
            %add3A_189 = arith.constant 32 : i32
            %add3A_190 = arith.addi %mul3A_188, %add3A_189 : i32
            %multiple_of3A_191 = tpu.assume_multiple %add3A_190, 16 : i32
            %get3A_192 = arith.index_cast %multiple_of3A_191 : i32 to index
            %get3A_193 = tpu.vector_load %arg7[%get3A_192] {strides = array<i32>} : memref<2048xi32, #tpu.memory_space<vmem>>, vector<16xi32>,
            %eq3A_194 = arith.cmpi eq, %get3A_193, %gather3A_135 : vector<16xi32>
            %or3A_195 = arith.ori %or3A_184, %eq3A_194 : vector<16xi1>
            %get3A_196 = arith.index_cast %multiple_of3A_191 : i32 to index
            %get3A_197 = tpu.vector_load %arg8[%get3A_196] {strides = array<i32>} : memref<2048xi32, #tpu.memory_space<vmem>>, vector<16xi32>,
            %eq3A_198 = arith.cmpi eq, %get3A_197, %gather3A_136 : vector<16xi32>
            %or3A_199 = arith.ori %or3A_195, %eq3A_198 : vector<16xi1>
            %mul3A_200 = arith.constant 16 : i32
            %mul3A_201 = arith.muli %scan3A_153, %mul3A_200 : i32
            %mul3A_202 = arith.constant 4 : i32
            %mul3A_203 = arith.muli %mul3A_201, %mul3A_202 : i32
            %add3A_204 = arith.constant 48 : i32
            %add3A_205 = arith.addi %mul3A_203, %add3A_204 : i32
            %multiple_of3A_206 = tpu.assume_multiple %add3A_205, 16 : i32
            %get3A_207 = arith.index_cast %multiple_of3A_206 : i32 to index
            %get3A_208 = tpu.vector_load %arg7[%get3A_207] {strides = array<i32>} : memref<2048xi32, #tpu.memory_space<vmem>>, vector<16xi32>,
            %eq3A_209 = arith.cmpi eq, %get3A_208, %gather3A_135 : vector<16xi32>
            %or3A_210 = arith.ori %or3A_199, %eq3A_209 : vector<16xi1>
            %get3A_211 = arith.index_cast %multiple_of3A_206 : i32 to index
            %get3A_212 = tpu.vector_load %arg8[%get3A_211] {strides = array<i32>} : memref<2048xi32, #tpu.memory_space<vmem>>, vector<16xi32>,
            %eq3A_213 = arith.cmpi eq, %get3A_212, %gather3A_136 : vector<16xi32>
            %or3A_214 = arith.ori %or3A_210, %eq3A_213 : vector<16xi1>
            scf.yield %or3A_214 : vector<16xi1>
          }
          %scan3A_144 = arith.constant 32 : i32
          %all_reduce_population_count3A = tpu.all_reduce %scan3A_143 {dim = 0 : i64, kind = #tpu.reduction_kind<sum>} : vector<16xi1> -> vector<16xi32>
          %gt3A_145 = arith.constant 0 : i32
          %gt3A_146 = vector.broadcast %gt3A_145 : i32 to vector<16xi32>
          %gt3A_147 = arith.cmpi sgt, %all_reduce_population_count3A, %gt3A_146 : vector<16xi32>
          %convert_element_type3A_148 = arith.extui %gt3A_147 : vector<16xi1> to vector<16xi32>
          %eq3A_149 = arith.constant 0 : i32
          %eq3A_150 = vector.broadcast %eq3A_149 : i32 to vector<16xi32>
          %eq3A_151 = arith.cmpi eq, %iota3A, %eq3A_150 : vector<16xi32>
          tpu.vector_store_idx %arg15[%add3A_134], %convert_element_type3A_148 masked %eq3A_151 : memref<128xi32, #tpu.memory_space<vmem>>[vector<16xi32>], vector<16xi32>, vector<16xi1>
          %ne3A = arith.cmpi ne, %iota3A, %all_reduce_ffs3A : vector<16xi32>
          %and3A_152 = arith.andi %while3A_127, %ne3A : vector<16xi1>
          scf.yield %and3A_152 : vector<16xi1>
        }
      } else {
      }
      %scan3A_126 = arith.constant 0 : i32
      scf.yield %scan3A_126 : i32
    }
    %scan3A_76 = arith.constant 8 : i32
    %broadcast_in_dim3A_77 = arith.constant 0 : i32
    "tpu.trace_stop"() : () -> ()
    %broadcast_in_dim3A_78 = vector.broadcast %broadcast_in_dim3A_77 : i32 to vector<16xi32>
    %scan3A_79 = arith.constant 0 : i32
    %scan3A_80 = arith.constant 8 : i32
    %scan3A_81 = arith.addi %scan3A_79, %scan3A_80 : i32
    %scan3A_82 = arith.constant 1 : i32
    %scan3A_83 = scf.for %scan3A_91 = %scan3A_79 to %scan3A_81 step %scan3A_82 iter_args(%scan3A_92 = %broadcast_in_dim3A_78) -> (vector<16xi32>)  : i32 {
      %mul3A_93 = arith.constant 16 : i32
      %mul3A_94 = arith.muli %scan3A_91, %mul3A_93 : i32
      %multiple_of3A_95 = tpu.assume_multiple %mul3A_94, 16 : i32
      %get3A = arith.index_cast %multiple_of3A_95 : i32 to index
      %get3A_96 = tpu.vector_load %arg15[%get3A] {strides = array<i32>} : memref<128xi32, #tpu.memory_space<vmem>>, vector<16xi32>,
      %or3A = arith.ori %scan3A_92, %get3A_96 : vector<16xi32>
      scf.yield %or3A : vector<16xi32>
    }
    %scan3A_84 = arith.constant 8 : i32
    %swap3A = arith.constant 0 : index
    %swap3A_85 = tpu.vector_load %arg15[%swap3A] {strides = array<i32>} : memref<128xi32, #tpu.memory_space<vmem>>, vector<16xi32>,
    tpu.vector_store %arg15[%swap3A], %scan3A_83 {strides = array<i32>} : memref<128xi32, #tpu.memory_space<vmem>>, vector<16xi32>,
    %mul3A_86 = arith.constant 16 : i32
    %mul3A_87 = arith.muli %arg0, %mul3A_86 : i32
    %add3A = arith.addi %mul3A_87, %arg1 : i32
    %mul3A_88 = arith.constant 16 : i32
    %mul3A_89 = arith.muli %add3A, %mul3A_88 : i32
    %multiple_of3A_90 = tpu.assume_multiple %mul3A_89, 16 : i32
    "tpu.region"() ({
      %run_scoped3A = tpu.sem_alloc : memref<!tpu.dma_semaphore, #tpu.memory_space<semaphore_mem>>
      %dma_start3A_91 = arith.constant 0 : i32
      %dma_start3A_92 = tpu.memref_slice %arg15[%dma_start3A_91] : memref<128xi32, #tpu.memory_space<vmem>> -> memref<16xi32, #tpu.memory_space<vmem>>
      %dma_start3A_93 = tpu.memref_slice %arg6[%multiple_of3A_90] : memref<512xi32, #tpu.memory_space<hbm>> -> memref<16xi32, #tpu.memory_space<hbm>>
      %dma_start3A_94 = tpu.memref_slice %arg6[%multiple_of3A_90] : memref<512xi32, #tpu.memory_space<hbm>> -> memref<16xi32, #tpu.memory_space<hbm>>
      %dma_start3A_95 = arith.constant 0 : i32
      %dma_start3A_96 = tpu.memref_slice %arg15[%dma_start3A_95] : memref<128xi32, #tpu.memory_space<vmem>> -> memref<16xi32, #tpu.memory_space<vmem>>
      tpu.enqueue_dma source(%dma_start3A_96 : memref<16xi32, #tpu.memory_space<vmem>>) target(%dma_start3A_94 : memref<16xi32, #tpu.memory_space<hbm>>) target_semaphore(%run_scoped3A : memref<!tpu.dma_semaphore, #tpu.memory_space<semaphore_mem>>)
      %dma_wait3A_97 = arith.constant 0 : i32
      %dma_wait3A_98 = tpu.memref_slice %arg15[%dma_wait3A_97] : memref<128xi32, #tpu.memory_space<vmem>> -> memref<16xi32, #tpu.memory_space<vmem>>
      %dma_wait3A_99 = tpu.memref_slice %arg6[%multiple_of3A_90] : memref<512xi32, #tpu.memory_space<hbm>> -> memref<16xi32, #tpu.memory_space<hbm>>
      %dma_wait3A_100 = tpu.memref_slice %arg6[%multiple_of3A_90] : memref<512xi32, #tpu.memory_space<hbm>> -> memref<16xi32, #tpu.memory_space<hbm>>
      %dma_wait3A_101 = arith.constant 0 : i32
      %dma_wait3A_102 = tpu.memref_slice %arg15[%dma_wait3A_101] : memref<128xi32, #tpu.memory_space<vmem>> -> memref<16xi32, #tpu.memory_space<vmem>>
      tpu.wait_dma2 semaphore(%run_scoped3A : memref<!tpu.dma_semaphore, #tpu.memory_space<semaphore_mem>>) src(%dma_wait3A_102 : memref<16xi32, #tpu.memory_space<vmem>>) dst(%dma_wait3A_100 : memref<16xi32, #tpu.memory_space<hbm>>)
      tpu.yield
    }) : () -> ()
    return
  }
}

module attributes {stable_mosaic.version = 14 : i64} {
  func.func @_codes_body(%arg0: i32, %arg1: memref<1x2048x64xf32, #tpu.memory_space<vmem>>, %arg2: memref<1x2048x64xf32, #tpu.memory_space<vmem>>, %arg3: memref<1x1x2048xi32, #tpu.memory_space<vmem>>, %arg4: memref<1x1x2048xi32, #tpu.memory_space<vmem>>, %arg5: memref<1x1x2048xi32, #tpu.memory_space<vmem>>, %arg6: memref<1x1x2048xi32, #tpu.memory_space<vmem>>) attributes {dimension_semantics = [#tpu.dimension_semantics<arbitrary>], iteration_bounds = array<i64: 2>, scalar_prefetch = 0 : i64, scratch_operands = 0 : i64, tpu.core_type = #tpu.core_type<tc>, window_params = [{transform_indices = @transform_0, window_bounds = array<i64: 1, 2048, 64>}, {transform_indices = @transform_1, window_bounds = array<i64: 1, 2048, 64>}, {transform_indices = @transform_2, window_bounds = array<i64: 1, 1, 2048>}, {transform_indices = @transform_3, window_bounds = array<i64: 1, 1, 2048>}, {transform_indices = @transform_4, window_bounds = array<i64: 1, 1, 2048>}, {transform_indices = @transform_5, window_bounds = array<i64: 1, 1, 2048>}]} {
    %iota3A = tpu.iota {dimensions = array<i32: 0>} : vector<32x2xi32>
    %iota3A_0 = tpu.iota {dimensions = array<i32: 1>} : vector<32x2xi32>
    %rem3A = arith.constant 16 : i32
    %rem3A_1 = vector.broadcast %rem3A : i32 to vector<32x2xi32>
    %rem3A_2 = arith.remsi %iota3A, %rem3A_1 : vector<32x2xi32>
    %shift_left3A = arith.constant 1 : i32
    %shift_left3A_3 = vector.broadcast %shift_left3A : i32 to vector<32x2xi32>
    %shift_left3A_4 = arith.shli %shift_left3A_3, %rem3A_2 : vector<32x2xi32>
    %convert_element_type3A = arith.sitofp %shift_left3A_4 : vector<32x2xi32> to vector<32x2xf32>
    %jit3A = arith.constant 16 : i32
    %div3A = vector.broadcast %jit3A : i32 to vector<32x2xi32>
    %div3A_5 = arith.divsi %iota3A, %div3A : vector<32x2xi32>
    %sign3A = arith.constant 0 : i32
    %sign3A_6 = vector.broadcast %sign3A : i32 to vector<32x2xi32>
    %sign3A_7 = arith.cmpi sgt, %iota3A, %sign3A_6 : vector<32x2xi32>
    %sign3A_8 = arith.extui %sign3A_7 : vector<32x2xi1> to vector<32x2xi32>
    %sign3A_9 = arith.constant 0 : i32
    %sign3A_10 = vector.broadcast %sign3A_9 : i32 to vector<32x2xi32>
    %sign3A_11 = arith.cmpi slt, %iota3A, %sign3A_10 : vector<32x2xi32>
    %sign3A_12 = arith.extui %sign3A_11 : vector<32x2xi1> to vector<32x2xi32>
    %sign3A_13 = arith.subi %sign3A_8, %sign3A_12 : vector<32x2xi32>
    %sign3A_14 = arith.constant 0 : i32
    %sign3A_15 = arith.cmpi sgt, %jit3A, %sign3A_14 : i32
    %sign3A_16 = arith.extui %sign3A_15 : i1 to i32
    %sign3A_17 = arith.constant 0 : i32
    %sign3A_18 = arith.cmpi slt, %jit3A, %sign3A_17 : i32
    %sign3A_19 = arith.extui %sign3A_18 : i1 to i32
    %sign3A_20 = arith.subi %sign3A_16, %sign3A_19 : i32
    %ne3A = vector.broadcast %sign3A_20 : i32 to vector<32x2xi32>
    %ne3A_21 = arith.cmpi ne, %sign3A_13, %ne3A : vector<32x2xi32>
    %rem3A_22 = vector.broadcast %jit3A : i32 to vector<32x2xi32>
    %rem3A_23 = arith.remsi %iota3A, %rem3A_22 : vector<32x2xi32>
    %ne3A_24 = arith.constant 0 : i32
    %ne3A_25 = vector.broadcast %ne3A_24 : i32 to vector<32x2xi32>
    %ne3A_26 = arith.cmpi ne, %rem3A_23, %ne3A_25 : vector<32x2xi32>
    %and3A = arith.andi %ne3A_21, %ne3A_26 : vector<32x2xi1>
    %sub3A = arith.constant 1 : i32
    %sub3A_27 = vector.broadcast %sub3A : i32 to vector<32x2xi32>
    %sub3A_28 = arith.subi %div3A_5, %sub3A_27 : vector<32x2xi32>
    %select_n3A = arith.select %and3A, %sub3A_28, %div3A_5 : vector<32x2xi1>, vector<32x2xi32>
    %eq3A = arith.cmpi eq, %iota3A_0, %select_n3A : vector<32x2xi32>
    %jit3A_29 = arith.constant 0.000000e+00 : f32
    %broadcast_in_dim3A = vector.broadcast %jit3A_29 : f32 to vector<32x2xf32>
    %select_n3A_30 = arith.select %eq3A, %convert_element_type3A, %broadcast_in_dim3A : vector<32x2xi1>, vector<32x2xf32>
    %get3A = arith.constant 0 : index
    %get3A_31 = arith.constant 0 : index
    %get3A_32 = arith.constant 0 : index
    %get3A_33 = vector.load %arg1[%get3A, %get3A_31, %get3A_32] : memref<1x2048x64xf32, #tpu.memory_space<vmem>>, vector<1x2048x64xf32>
    %get3A_34 = vector.shape_cast %get3A_33 : vector<1x2048x64xf32> to vector<2048x64xf32>
    %slice3A = vector.extract_strided_slice %get3A_34 {offsets = [0, 0], sizes = [2048, 32], strides = [1, 1]} : vector<2048x64xf32> to vector<2048x32xf32>
    %gt3A = arith.constant 0.000000e+00 : f32
    %gt3A_35 = vector.broadcast %gt3A : f32 to vector<2048x32xf32>
    %gt3A_36 = arith.cmpf ogt, %slice3A, %gt3A_35 : vector<2048x32xf32>
    %convert_element_type3A_37 = arith.extui %gt3A_36 : vector<2048x32xi1> to vector<2048x32xi32>
    %convert_element_type3A_38 = arith.sitofp %convert_element_type3A_37 : vector<2048x32xi32> to vector<2048x32xf32>
    %dot_general3A = arith.constant dense<0.000000e+00> : vector<2x2048xf32>
    %dot_general3A_39 = tpu.matmul %select_n3A_30, %convert_element_type3A_38, %dot_general3A {dimension_numbers = #tpu.dot_dimension_numbers<[0], [1], [1], [0], [0, 1, 1, 0], [], []>, transpose_lhs_hint = false} : vector<32x2xf32>, vector<2048x32xf32>, vector<2x2048xf32> -> vector<2x2048xf32>
    %slice3A_40 = vector.extract_strided_slice %dot_general3A_39 {offsets = [0, 0], sizes = [1, 2048], strides = [1, 1]} : vector<2x2048xf32> to vector<1x2048xf32>
    %convert_element_type3A_41 = arith.fptosi %slice3A_40 : vector<1x2048xf32> to vector<1x2048xi32>
    %slice3A_42 = vector.extract_strided_slice %dot_general3A_39 {offsets = [1, 0], sizes = [1, 2048], strides = [1, 1]} : vector<2x2048xf32> to vector<1x2048xf32>
    %convert_element_type3A_43 = arith.fptosi %slice3A_42 : vector<1x2048xf32> to vector<1x2048xi32>
    %shift_left3A_44 = arith.constant 16 : i32
    %shift_left3A_45 = vector.broadcast %shift_left3A_44 : i32 to vector<1x2048xi32>
    %shift_left3A_46 = arith.shli %convert_element_type3A_43, %shift_left3A_45 : vector<1x2048xi32>
    %add3A = arith.addi %convert_element_type3A_41, %shift_left3A_46 : vector<1x2048xi32>
    %swap3A = arith.constant 0 : index
    %swap3A_47 = arith.constant 0 : index
    %swap3A_48 = arith.constant 0 : index
    %swap3A_49 = vector.load %arg3[%swap3A, %swap3A_47, %swap3A_48] : memref<1x1x2048xi32, #tpu.memory_space<vmem>>, vector<1x1x2048xi32>
    %swap3A_50 = vector.shape_cast %swap3A_49 : vector<1x1x2048xi32> to vector<1x2048xi32>
    %swap3A_51 = vector.shape_cast %add3A : vector<1x2048xi32> to vector<1x1x2048xi32>
    tpu.vector_store %arg3[%swap3A, %swap3A_47, %swap3A_48], %swap3A_51 {strides = array<i32>} : memref<1x1x2048xi32, #tpu.memory_space<vmem>>, vector<1x1x2048xi32>,
    %slice3A_52 = vector.extract_strided_slice %get3A_34 {offsets = [0, 32], sizes = [2048, 32], strides = [1, 1]} : vector<2048x64xf32> to vector<2048x32xf32>
    %gt3A_53 = arith.constant 0.000000e+00 : f32
    %gt3A_54 = vector.broadcast %gt3A_53 : f32 to vector<2048x32xf32>
    %gt3A_55 = arith.cmpf ogt, %slice3A_52, %gt3A_54 : vector<2048x32xf32>
    %convert_element_type3A_56 = arith.extui %gt3A_55 : vector<2048x32xi1> to vector<2048x32xi32>
    %convert_element_type3A_57 = arith.sitofp %convert_element_type3A_56 : vector<2048x32xi32> to vector<2048x32xf32>
    %dot_general3A_58 = arith.constant dense<0.000000e+00> : vector<2x2048xf32>
    %dot_general3A_59 = tpu.matmul %select_n3A_30, %convert_element_type3A_57, %dot_general3A_58 {dimension_numbers = #tpu.dot_dimension_numbers<[0], [1], [1], [0], [0, 1, 1, 0], [], []>, transpose_lhs_hint = false} : vector<32x2xf32>, vector<2048x32xf32>, vector<2x2048xf32> -> vector<2x2048xf32>
    %slice3A_60 = vector.extract_strided_slice %dot_general3A_59 {offsets = [0, 0], sizes = [1, 2048], strides = [1, 1]} : vector<2x2048xf32> to vector<1x2048xf32>
    %convert_element_type3A_61 = arith.fptosi %slice3A_60 : vector<1x2048xf32> to vector<1x2048xi32>
    %slice3A_62 = vector.extract_strided_slice %dot_general3A_59 {offsets = [1, 0], sizes = [1, 2048], strides = [1, 1]} : vector<2x2048xf32> to vector<1x2048xf32>
    %convert_element_type3A_63 = arith.fptosi %slice3A_62 : vector<1x2048xf32> to vector<1x2048xi32>
    %shift_left3A_64 = arith.constant 16 : i32
    %shift_left3A_65 = vector.broadcast %shift_left3A_64 : i32 to vector<1x2048xi32>
    %shift_left3A_66 = arith.shli %convert_element_type3A_63, %shift_left3A_65 : vector<1x2048xi32>
    %add3A_67 = arith.addi %convert_element_type3A_61, %shift_left3A_66 : vector<1x2048xi32>
    %swap3A_68 = arith.constant 0 : index
    %swap3A_69 = arith.constant 0 : index
    %swap3A_70 = arith.constant 0 : index
    %swap3A_71 = vector.load %arg4[%swap3A_68, %swap3A_69, %swap3A_70] : memref<1x1x2048xi32, #tpu.memory_space<vmem>>, vector<1x1x2048xi32>
    %swap3A_72 = vector.shape_cast %swap3A_71 : vector<1x1x2048xi32> to vector<1x2048xi32>
    %swap3A_73 = vector.shape_cast %add3A_67 : vector<1x2048xi32> to vector<1x1x2048xi32>
    tpu.vector_store %arg4[%swap3A_68, %swap3A_69, %swap3A_70], %swap3A_73 {strides = array<i32>} : memref<1x1x2048xi32, #tpu.memory_space<vmem>>, vector<1x1x2048xi32>,
    %get3A_74 = arith.constant 0 : index
    %get3A_75 = arith.constant 0 : index
    %get3A_76 = arith.constant 0 : index
    %get3A_77 = vector.load %arg2[%get3A_74, %get3A_75, %get3A_76] : memref<1x2048x64xf32, #tpu.memory_space<vmem>>, vector<1x2048x64xf32>
    %get3A_78 = vector.shape_cast %get3A_77 : vector<1x2048x64xf32> to vector<2048x64xf32>
    %slice3A_79 = vector.extract_strided_slice %get3A_78 {offsets = [0, 0], sizes = [2048, 32], strides = [1, 1]} : vector<2048x64xf32> to vector<2048x32xf32>
    %gt3A_80 = arith.constant 0.000000e+00 : f32
    %gt3A_81 = vector.broadcast %gt3A_80 : f32 to vector<2048x32xf32>
    %gt3A_82 = arith.cmpf ogt, %slice3A_79, %gt3A_81 : vector<2048x32xf32>
    %convert_element_type3A_83 = arith.extui %gt3A_82 : vector<2048x32xi1> to vector<2048x32xi32>
    %convert_element_type3A_84 = arith.sitofp %convert_element_type3A_83 : vector<2048x32xi32> to vector<2048x32xf32>
    %dot_general3A_85 = arith.constant dense<0.000000e+00> : vector<2x2048xf32>
    %dot_general3A_86 = tpu.matmul %select_n3A_30, %convert_element_type3A_84, %dot_general3A_85 {dimension_numbers = #tpu.dot_dimension_numbers<[0], [1], [1], [0], [0, 1, 1, 0], [], []>, transpose_lhs_hint = false} : vector<32x2xf32>, vector<2048x32xf32>, vector<2x2048xf32> -> vector<2x2048xf32>
    %slice3A_87 = vector.extract_strided_slice %dot_general3A_86 {offsets = [0, 0], sizes = [1, 2048], strides = [1, 1]} : vector<2x2048xf32> to vector<1x2048xf32>
    %convert_element_type3A_88 = arith.fptosi %slice3A_87 : vector<1x2048xf32> to vector<1x2048xi32>
    %slice3A_89 = vector.extract_strided_slice %dot_general3A_86 {offsets = [1, 0], sizes = [1, 2048], strides = [1, 1]} : vector<2x2048xf32> to vector<1x2048xf32>
    %convert_element_type3A_90 = arith.fptosi %slice3A_89 : vector<1x2048xf32> to vector<1x2048xi32>
    %shift_left3A_91 = arith.constant 16 : i32
    %shift_left3A_92 = vector.broadcast %shift_left3A_91 : i32 to vector<1x2048xi32>
    %shift_left3A_93 = arith.shli %convert_element_type3A_90, %shift_left3A_92 : vector<1x2048xi32>
    %add3A_94 = arith.addi %convert_element_type3A_88, %shift_left3A_93 : vector<1x2048xi32>
    %swap3A_95 = arith.constant 0 : index
    %swap3A_96 = arith.constant 0 : index
    %swap3A_97 = arith.constant 0 : index
    %swap3A_98 = vector.load %arg5[%swap3A_95, %swap3A_96, %swap3A_97] : memref<1x1x2048xi32, #tpu.memory_space<vmem>>, vector<1x1x2048xi32>
    %swap3A_99 = vector.shape_cast %swap3A_98 : vector<1x1x2048xi32> to vector<1x2048xi32>
    %swap3A_100 = vector.shape_cast %add3A_94 : vector<1x2048xi32> to vector<1x1x2048xi32>
    tpu.vector_store %arg5[%swap3A_95, %swap3A_96, %swap3A_97], %swap3A_100 {strides = array<i32>} : memref<1x1x2048xi32, #tpu.memory_space<vmem>>, vector<1x1x2048xi32>,
    %slice3A_101 = vector.extract_strided_slice %get3A_78 {offsets = [0, 32], sizes = [2048, 32], strides = [1, 1]} : vector<2048x64xf32> to vector<2048x32xf32>
    %gt3A_102 = arith.constant 0.000000e+00 : f32
    %gt3A_103 = vector.broadcast %gt3A_102 : f32 to vector<2048x32xf32>
    %gt3A_104 = arith.cmpf ogt, %slice3A_101, %gt3A_103 : vector<2048x32xf32>
    %convert_element_type3A_105 = arith.extui %gt3A_104 : vector<2048x32xi1> to vector<2048x32xi32>
    %convert_element_type3A_106 = arith.sitofp %convert_element_type3A_105 : vector<2048x32xi32> to vector<2048x32xf32>
    %dot_general3A_107 = arith.constant dense<0.000000e+00> : vector<2x2048xf32>
    %dot_general3A_108 = tpu.matmul %select_n3A_30, %convert_element_type3A_106, %dot_general3A_107 {dimension_numbers = #tpu.dot_dimension_numbers<[0], [1], [1], [0], [0, 1, 1, 0], [], []>, transpose_lhs_hint = false} : vector<32x2xf32>, vector<2048x32xf32>, vector<2x2048xf32> -> vector<2x2048xf32>
    %slice3A_109 = vector.extract_strided_slice %dot_general3A_108 {offsets = [0, 0], sizes = [1, 2048], strides = [1, 1]} : vector<2x2048xf32> to vector<1x2048xf32>
    %convert_element_type3A_110 = arith.fptosi %slice3A_109 : vector<1x2048xf32> to vector<1x2048xi32>
    %slice3A_111 = vector.extract_strided_slice %dot_general3A_108 {offsets = [1, 0], sizes = [1, 2048], strides = [1, 1]} : vector<2x2048xf32> to vector<1x2048xf32>
    %convert_element_type3A_112 = arith.fptosi %slice3A_111 : vector<1x2048xf32> to vector<1x2048xi32>
    %shift_left3A_113 = arith.constant 16 : i32
    %shift_left3A_114 = vector.broadcast %shift_left3A_113 : i32 to vector<1x2048xi32>
    %shift_left3A_115 = arith.shli %convert_element_type3A_112, %shift_left3A_114 : vector<1x2048xi32>
    %add3A_116 = arith.addi %convert_element_type3A_110, %shift_left3A_115 : vector<1x2048xi32>
    %swap3A_117 = arith.constant 0 : index
    %swap3A_118 = arith.constant 0 : index
    %swap3A_119 = arith.constant 0 : index
    %swap3A_120 = vector.load %arg6[%swap3A_117, %swap3A_118, %swap3A_119] : memref<1x1x2048xi32, #tpu.memory_space<vmem>>, vector<1x1x2048xi32>
    %swap3A_121 = vector.shape_cast %swap3A_120 : vector<1x1x2048xi32> to vector<1x2048xi32>
    %swap3A_122 = vector.shape_cast %add3A_116 : vector<1x2048xi32> to vector<1x1x2048xi32>
    tpu.vector_store %arg6[%swap3A_117, %swap3A_118, %swap3A_119], %swap3A_122 {strides = array<i32>} : memref<1x1x2048xi32, #tpu.memory_space<vmem>>, vector<1x1x2048xi32>,
    return
  }
  func.func @transform_0(%arg0: i32) -> (i32, i32, i32) {
    %c0_i32 = arith.constant 0 : i32
    %c0_i32_0 = arith.constant 0 : i32
    %c0_i32_1 = arith.constant 0 : i32
    return %arg0, %c0_i32, %c0_i32_0 : i32, i32, i32
  }
  func.func @transform_1(%arg0: i32) -> (i32, i32, i32) {
    %c0_i32 = arith.constant 0 : i32
    %c0_i32_0 = arith.constant 0 : i32
    %c0_i32_1 = arith.constant 0 : i32
    return %arg0, %c0_i32, %c0_i32_0 : i32, i32, i32
  }
  func.func @transform_2(%arg0: i32) -> (i32, i32, i32) {
    %c0_i32 = arith.constant 0 : i32
    %c0_i32_0 = arith.constant 0 : i32
    %c0_i32_1 = arith.constant 0 : i32
    return %arg0, %c0_i32, %c0_i32_0 : i32, i32, i32
  }
  func.func @transform_3(%arg0: i32) -> (i32, i32, i32) {
    %c0_i32 = arith.constant 0 : i32
    %c0_i32_0 = arith.constant 0 : i32
    %c0_i32_1 = arith.constant 0 : i32
    return %arg0, %c0_i32, %c0_i32_0 : i32, i32, i32
  }
  func.func @transform_4(%arg0: i32) -> (i32, i32, i32) {
    %c0_i32 = arith.constant 0 : i32
    %c0_i32_0 = arith.constant 0 : i32
    %c0_i32_1 = arith.constant 0 : i32
    return %arg0, %c0_i32, %c0_i32_0 : i32, i32, i32
  }
  func.func @transform_5(%arg0: i32) -> (i32, i32, i32) {
    %c0_i32 = arith.constant 0 : i32
    %c0_i32_0 = arith.constant 0 : i32
    %c0_i32_1 = arith.constant 0 : i32
    return %arg0, %c0_i32, %c0_i32_0 : i32, i32, i32
  }
}

module attributes {stable_mosaic.version = 14 : i64} {
  func.func @_body(%arg0: i32, %arg1: i32, %arg2: memref<1x256x64xf32, #tpu.memory_space<vmem>>, %arg3: memref<1x2048x64xf32, #tpu.memory_space<vmem>>, %arg4: memref<32x4xf32, #tpu.memory_space<vmem>>, %arg5: memref<32x4xf32, #tpu.memory_space<vmem>>, %arg6: memref<1x256x64xi32, #tpu.memory_space<vmem>>, %arg7: memref<1x256x64xf32, #tpu.memory_space<vmem>>) attributes {dimension_semantics = [#tpu.dimension_semantics<arbitrary>, #tpu.dimension_semantics<arbitrary>], iteration_bounds = array<i64: 2, 8>, scalar_prefetch = 0 : i64, scratch_operands = 0 : i64, tpu.core_type = #tpu.core_type<tc>, window_params = [{transform_indices = @transform_0, window_bounds = array<i64: 1, 256, 64>}, {transform_indices = @transform_1, window_bounds = array<i64: 1, 2048, 64>}, {pipeline_mode = #tpu.pipeline_mode<synchronous>, transform_indices = @transform_2, window_bounds = array<i64: 32, 4>}, {pipeline_mode = #tpu.pipeline_mode<synchronous>, transform_indices = @transform_3, window_bounds = array<i64: 32, 4>}, {transform_indices = @transform_4, window_bounds = array<i64: 1, 256, 64>}, {transform_indices = @transform_5, window_bounds = array<i64: 1, 256, 64>}]} {
    %get3A = arith.constant 0 : index
    %get3A_0 = arith.constant 0 : index
    %get3A_1 = arith.constant 0 : index
    %get3A_2 = vector.load %arg2[%get3A, %get3A_0, %get3A_1] : memref<1x256x64xf32, #tpu.memory_space<vmem>>, vector<1x256x64xf32>
    %get3A_3 = vector.shape_cast %get3A_2 : vector<1x256x64xf32> to vector<256x64xf32>
    %get3A_4 = arith.constant 0 : index
    %get3A_5 = arith.constant 0 : index
    %get3A_6 = arith.constant 0 : index
    %get3A_7 = vector.load %arg3[%get3A_4, %get3A_5, %get3A_6] : memref<1x2048x64xf32, #tpu.memory_space<vmem>>, vector<1x2048x64xf32>
    %get3A_8 = vector.shape_cast %get3A_7 : vector<1x2048x64xf32> to vector<2048x64xf32>
    %get3A_9 = arith.constant 0 : index
    %get3A_10 = arith.constant 0 : index
    %get3A_11 = vector.load %arg4[%get3A_9, %get3A_10] : memref<32x4xf32, #tpu.memory_space<vmem>>, vector<32x4xf32>
    %get3A_12 = arith.constant 0 : index
    %get3A_13 = arith.constant 0 : index
    %get3A_14 = vector.load %arg5[%get3A_12, %get3A_13] : memref<32x4xf32, #tpu.memory_space<vmem>>, vector<32x4xf32>
    %iota3A = tpu.iota {dimensions = array<i32: 0>} : vector<32x2xi32>
    %iota3A_15 = tpu.iota {dimensions = array<i32: 1>} : vector<32x2xi32>
    %rem3A = arith.constant 16 : i32
    %rem3A_16 = vector.broadcast %rem3A : i32 to vector<32x2xi32>
    %rem3A_17 = arith.remsi %iota3A, %rem3A_16 : vector<32x2xi32>
    %shift_left3A = arith.constant 1 : i32
    %shift_left3A_18 = vector.broadcast %shift_left3A : i32 to vector<32x2xi32>
    %shift_left3A_19 = arith.shli %shift_left3A_18, %rem3A_17 : vector<32x2xi32>
    %convert_element_type3A = arith.sitofp %shift_left3A_19 : vector<32x2xi32> to vector<32x2xf32>
    %jit3A = arith.constant 16 : i32
    %div3A = vector.broadcast %jit3A : i32 to vector<32x2xi32>
    %div3A_20 = arith.divsi %iota3A, %div3A : vector<32x2xi32>
    %sign3A = arith.constant 0 : i32
    %sign3A_21 = vector.broadcast %sign3A : i32 to vector<32x2xi32>
    %sign3A_22 = arith.cmpi sgt, %iota3A, %sign3A_21 : vector<32x2xi32>
    %sign3A_23 = arith.extui %sign3A_22 : vector<32x2xi1> to vector<32x2xi32>
    %sign3A_24 = arith.constant 0 : i32
    %sign3A_25 = vector.broadcast %sign3A_24 : i32 to vector<32x2xi32>
    %sign3A_26 = arith.cmpi slt, %iota3A, %sign3A_25 : vector<32x2xi32>
    %sign3A_27 = arith.extui %sign3A_26 : vector<32x2xi1> to vector<32x2xi32>
    %sign3A_28 = arith.subi %sign3A_23, %sign3A_27 : vector<32x2xi32>
    %sign3A_29 = arith.constant 0 : i32
    %sign3A_30 = arith.cmpi sgt, %jit3A, %sign3A_29 : i32
    %sign3A_31 = arith.extui %sign3A_30 : i1 to i32
    %sign3A_32 = arith.constant 0 : i32
    %sign3A_33 = arith.cmpi slt, %jit3A, %sign3A_32 : i32
    %sign3A_34 = arith.extui %sign3A_33 : i1 to i32
    %sign3A_35 = arith.subi %sign3A_31, %sign3A_34 : i32
    %ne3A = vector.broadcast %sign3A_35 : i32 to vector<32x2xi32>
    %ne3A_36 = arith.cmpi ne, %sign3A_28, %ne3A : vector<32x2xi32>
    %rem3A_37 = vector.broadcast %jit3A : i32 to vector<32x2xi32>
    %rem3A_38 = arith.remsi %iota3A, %rem3A_37 : vector<32x2xi32>
    %ne3A_39 = arith.constant 0 : i32
    %ne3A_40 = vector.broadcast %ne3A_39 : i32 to vector<32x2xi32>
    %ne3A_41 = arith.cmpi ne, %rem3A_38, %ne3A_40 : vector<32x2xi32>
    %and3A = arith.andi %ne3A_36, %ne3A_41 : vector<32x2xi1>
    %sub3A = arith.constant 1 : i32
    %sub3A_42 = vector.broadcast %sub3A : i32 to vector<32x2xi32>
    %sub3A_43 = arith.subi %div3A_20, %sub3A_42 : vector<32x2xi32>
    %select_n3A = arith.select %and3A, %sub3A_43, %div3A_20 : vector<32x2xi1>, vector<32x2xi32>
    %eq3A = arith.cmpi eq, %iota3A_15, %select_n3A : vector<32x2xi32>
    %jit3A_44 = arith.constant 0.000000e+00 : f32
    %broadcast_in_dim3A = vector.broadcast %jit3A_44 : f32 to vector<32x2xf32>
    %select_n3A_45 = arith.select %eq3A, %convert_element_type3A, %broadcast_in_dim3A : vector<32x2xi1>, vector<32x2xf32>
    %slice3A = vector.extract_strided_slice %get3A_3 {offsets = [0, 0], sizes = [256, 32], strides = [1, 1]} : vector<256x64xf32> to vector<256x32xf32>
    %slice3A_46 = vector.extract_strided_slice %get3A_8 {offsets = [0, 0], sizes = [2048, 32], strides = [1, 1]} : vector<2048x64xf32> to vector<2048x32xf32>
    %gt3A = arith.constant 0.000000e+00 : f32
    %gt3A_47 = vector.broadcast %gt3A : f32 to vector<256x32xf32>
    %gt3A_48 = arith.cmpf ogt, %slice3A, %gt3A_47 : vector<256x32xf32>
    %convert_element_type3A_49 = arith.extui %gt3A_48 : vector<256x32xi1> to vector<256x32xi32>
    %convert_element_type3A_50 = arith.sitofp %convert_element_type3A_49 : vector<256x32xi32> to vector<256x32xf32>
    %gt3A_51 = arith.constant 0.000000e+00 : f32
    %gt3A_52 = vector.broadcast %gt3A_51 : f32 to vector<2048x32xf32>
    %gt3A_53 = arith.cmpf ogt, %slice3A_46, %gt3A_52 : vector<2048x32xf32>
    %convert_element_type3A_54 = arith.extui %gt3A_53 : vector<2048x32xi1> to vector<2048x32xi32>
    %convert_element_type3A_55 = arith.sitofp %convert_element_type3A_54 : vector<2048x32xi32> to vector<2048x32xf32>
    %dot_general3A = arith.constant dense<0.000000e+00> : vector<256x2xf32>
    %dot_general3A_56 = tpu.matmul %convert_element_type3A_50, %select_n3A_45, %dot_general3A {dimension_numbers = #tpu.dot_dimension_numbers<[1], [0], [0], [1], [0, 0, 1, 1], [], []>, transpose_lhs_hint = false} : vector<256x32xf32>, vector<32x2xf32>, vector<256x2xf32> -> vector<256x2xf32>
    %dot_general3A_57 = arith.constant dense<0.000000e+00> : vector<2x2048xf32>
    %dot_general3A_58 = tpu.matmul %select_n3A_45, %convert_element_type3A_55, %dot_general3A_57 {dimension_numbers = #tpu.dot_dimension_numbers<[0], [1], [1], [0], [0, 1, 1, 0], [], []>, transpose_lhs_hint = false} : vector<32x2xf32>, vector<2048x32xf32>, vector<2x2048xf32> -> vector<2x2048xf32>
    %dot_general3A_59 = arith.constant dense<0.000000e+00> : vector<256x4xf32>
    %dot_general3A_60 = tpu.matmul %slice3A, %get3A_11, %dot_general3A_59 {dimension_numbers = #tpu.dot_dimension_numbers<[1], [0], [0], [1], [0, 0, 1, 1], [], []>, transpose_lhs_hint = false} : vector<256x32xf32>, vector<32x4xf32>, vector<256x4xf32> -> vector<256x4xf32>
    %dot_general3A_61 = arith.constant dense<0.000000e+00> : vector<4x2048xf32>
    %dot_general3A_62 = tpu.matmul %get3A_11, %slice3A_46, %dot_general3A_61 {dimension_numbers = #tpu.dot_dimension_numbers<[0], [1], [1], [0], [0, 1, 1, 0], [], []>, transpose_lhs_hint = false} : vector<32x4xf32>, vector<2048x32xf32>, vector<4x2048xf32> -> vector<4x2048xf32>
    %div3A_63 = arith.constant 4.000000e+00 : f32
    %div3A_64 = vector.broadcast %div3A_63 : f32 to vector<256x4xf32>
    %div3A_65 = arith.divf %dot_general3A_60, %div3A_64 : vector<256x4xf32>
    %floor3A = math.floor %div3A_65 : vector<256x4xf32>
    %div3A_66 = arith.constant 4.000000e+00 : f32
    %div3A_67 = vector.broadcast %div3A_66 : f32 to vector<4x2048xf32>
    %div3A_68 = arith.divf %dot_general3A_62, %div3A_67 : vector<4x2048xf32>
    %floor3A_69 = math.floor %div3A_68 : vector<4x2048xf32>
    %div3A_70 = arith.constant 6.400000e+01 : f32
    %div3A_71 = vector.broadcast %div3A_70 : f32 to vector<256x4xf32>
    %div3A_72 = arith.divf %floor3A, %div3A_71 : vector<256x4xf32>
    %floor3A_73 = math.floor %div3A_72 : vector<256x4xf32>
    %mul3A = arith.constant 6.400000e+01 : f32
    %mul3A_74 = vector.broadcast %mul3A : f32 to vector<256x4xf32>
    %mul3A_75 = arith.mulf %floor3A_73, %mul3A_74 : vector<256x4xf32>
    %sub3A_76 = arith.subf %floor3A, %mul3A_75 : vector<256x4xf32>
    %div3A_77 = arith.constant 6.400000e+01 : f32
    %div3A_78 = vector.broadcast %div3A_77 : f32 to vector<4x2048xf32>
    %div3A_79 = arith.divf %floor3A_69, %div3A_78 : vector<4x2048xf32>
    %floor3A_80 = math.floor %div3A_79 : vector<4x2048xf32>
    %mul3A_81 = arith.constant 6.400000e+01 : f32
    %mul3A_82 = vector.broadcast %mul3A_81 : f32 to vector<4x2048xf32>
    %mul3A_83 = arith.mulf %floor3A_80, %mul3A_82 : vector<4x2048xf32>
    %sub3A_84 = arith.subf %floor3A_69, %mul3A_83 : vector<4x2048xf32>
    %slice3A_85 = vector.extract_strided_slice %get3A_3 {offsets = [0, 32], sizes = [256, 32], strides = [1, 1]} : vector<256x64xf32> to vector<256x32xf32>
    %slice3A_86 = vector.extract_strided_slice %get3A_8 {offsets = [0, 32], sizes = [2048, 32], strides = [1, 1]} : vector<2048x64xf32> to vector<2048x32xf32>
    %gt3A_87 = arith.constant 0.000000e+00 : f32
    %gt3A_88 = vector.broadcast %gt3A_87 : f32 to vector<256x32xf32>
    %gt3A_89 = arith.cmpf ogt, %slice3A_85, %gt3A_88 : vector<256x32xf32>
    %convert_element_type3A_90 = arith.extui %gt3A_89 : vector<256x32xi1> to vector<256x32xi32>
    %convert_element_type3A_91 = arith.sitofp %convert_element_type3A_90 : vector<256x32xi32> to vector<256x32xf32>
    %gt3A_92 = arith.constant 0.000000e+00 : f32
    %gt3A_93 = vector.broadcast %gt3A_92 : f32 to vector<2048x32xf32>
    %gt3A_94 = arith.cmpf ogt, %slice3A_86, %gt3A_93 : vector<2048x32xf32>
    %convert_element_type3A_95 = arith.extui %gt3A_94 : vector<2048x32xi1> to vector<2048x32xi32>
    %convert_element_type3A_96 = arith.sitofp %convert_element_type3A_95 : vector<2048x32xi32> to vector<2048x32xf32>
    %dot_general3A_97 = arith.constant dense<0.000000e+00> : vector<256x2xf32>
    %dot_general3A_98 = tpu.matmul %convert_element_type3A_91, %select_n3A_45, %dot_general3A_97 {dimension_numbers = #tpu.dot_dimension_numbers<[1], [0], [0], [1], [0, 0, 1, 1], [], []>, transpose_lhs_hint = false} : vector<256x32xf32>, vector<32x2xf32>, vector<256x2xf32> -> vector<256x2xf32>
    %dot_general3A_99 = arith.constant dense<0.000000e+00> : vector<2x2048xf32>
    %dot_general3A_100 = tpu.matmul %select_n3A_45, %convert_element_type3A_96, %dot_general3A_99 {dimension_numbers = #tpu.dot_dimension_numbers<[0], [1], [1], [0], [0, 1, 1, 0], [], []>, transpose_lhs_hint = false} : vector<32x2xf32>, vector<2048x32xf32>, vector<2x2048xf32> -> vector<2x2048xf32>
    %dot_general3A_101 = arith.constant dense<0.000000e+00> : vector<256x4xf32>
    %dot_general3A_102 = tpu.matmul %slice3A_85, %get3A_14, %dot_general3A_101 {dimension_numbers = #tpu.dot_dimension_numbers<[1], [0], [0], [1], [0, 0, 1, 1], [], []>, transpose_lhs_hint = false} : vector<256x32xf32>, vector<32x4xf32>, vector<256x4xf32> -> vector<256x4xf32>
    %dot_general3A_103 = arith.constant dense<0.000000e+00> : vector<4x2048xf32>
    %dot_general3A_104 = tpu.matmul %get3A_14, %slice3A_86, %dot_general3A_103 {dimension_numbers = #tpu.dot_dimension_numbers<[0], [1], [1], [0], [0, 1, 1, 0], [], []>, transpose_lhs_hint = false} : vector<32x4xf32>, vector<2048x32xf32>, vector<4x2048xf32> -> vector<4x2048xf32>
    %div3A_105 = arith.constant 4.000000e+00 : f32
    %div3A_106 = vector.broadcast %div3A_105 : f32 to vector<256x4xf32>
    %div3A_107 = arith.divf %dot_general3A_102, %div3A_106 : vector<256x4xf32>
    %floor3A_108 = math.floor %div3A_107 : vector<256x4xf32>
    %div3A_109 = arith.constant 4.000000e+00 : f32
    %div3A_110 = vector.broadcast %div3A_109 : f32 to vector<4x2048xf32>
    %div3A_111 = arith.divf %dot_general3A_104, %div3A_110 : vector<4x2048xf32>
    %floor3A_112 = math.floor %div3A_111 : vector<4x2048xf32>
    %div3A_113 = arith.constant 6.400000e+01 : f32
    %div3A_114 = vector.broadcast %div3A_113 : f32 to vector<256x4xf32>
    %div3A_115 = arith.divf %floor3A_108, %div3A_114 : vector<256x4xf32>
    %floor3A_116 = math.floor %div3A_115 : vector<256x4xf32>
    %mul3A_117 = arith.constant 6.400000e+01 : f32
    %mul3A_118 = vector.broadcast %mul3A_117 : f32 to vector<256x4xf32>
    %mul3A_119 = arith.mulf %floor3A_116, %mul3A_118 : vector<256x4xf32>
    %sub3A_120 = arith.subf %floor3A_108, %mul3A_119 : vector<256x4xf32>
    %div3A_121 = arith.constant 6.400000e+01 : f32
    %div3A_122 = vector.broadcast %div3A_121 : f32 to vector<4x2048xf32>
    %div3A_123 = arith.divf %floor3A_112, %div3A_122 : vector<4x2048xf32>
    %floor3A_124 = math.floor %div3A_123 : vector<4x2048xf32>
    %mul3A_125 = arith.constant 6.400000e+01 : f32
    %mul3A_126 = vector.broadcast %mul3A_125 : f32 to vector<4x2048xf32>
    %mul3A_127 = arith.mulf %floor3A_124, %mul3A_126 : vector<4x2048xf32>
    %sub3A_128 = arith.subf %floor3A_112, %mul3A_127 : vector<4x2048xf32>
    %slice3A_129 = vector.extract_strided_slice %dot_general3A_56 {offsets = [0, 0], sizes = [256, 1], strides = [1, 1]} : vector<256x2xf32> to vector<256x1xf32>
    %slice3A_130 = vector.extract_strided_slice %dot_general3A_58 {offsets = [0, 0], sizes = [1, 2048], strides = [1, 1]} : vector<2x2048xf32> to vector<1x2048xf32>
    %eq3A_131 = vector.broadcast %slice3A_129 : vector<256x1xf32> to vector<256x2048xf32>
    %eq3A_132 = vector.broadcast %slice3A_130 : vector<1x2048xf32> to vector<256x2048xf32>
    %eq3A_133 = arith.cmpf oeq, %eq3A_131, %eq3A_132 : vector<256x2048xf32>
    %slice3A_134 = vector.extract_strided_slice %dot_general3A_56 {offsets = [0, 1], sizes = [256, 1], strides = [1, 1]} : vector<256x2xf32> to vector<256x1xf32>
    %slice3A_135 = vector.extract_strided_slice %dot_general3A_58 {offsets = [1, 0], sizes = [1, 2048], strides = [1, 1]} : vector<2x2048xf32> to vector<1x2048xf32>
    %eq3A_136 = vector.broadcast %slice3A_134 : vector<256x1xf32> to vector<256x2048xf32>
    %eq3A_137 = vector.broadcast %slice3A_135 : vector<1x2048xf32> to vector<256x2048xf32>
    %eq3A_138 = arith.cmpf oeq, %eq3A_136, %eq3A_137 : vector<256x2048xf32>
    %and3A_139 = arith.andi %eq3A_133, %eq3A_138 : vector<256x2048xi1>
    %slice3A_140 = vector.extract_strided_slice %dot_general3A_98 {offsets = [0, 0], sizes = [256, 1], strides = [1, 1]} : vector<256x2xf32> to vector<256x1xf32>
    %slice3A_141 = vector.extract_strided_slice %dot_general3A_100 {offsets = [0, 0], sizes = [1, 2048], strides = [1, 1]} : vector<2x2048xf32> to vector<1x2048xf32>
    %eq3A_142 = vector.broadcast %slice3A_140 : vector<256x1xf32> to vector<256x2048xf32>
    %eq3A_143 = vector.broadcast %slice3A_141 : vector<1x2048xf32> to vector<256x2048xf32>
    %eq3A_144 = arith.cmpf oeq, %eq3A_142, %eq3A_143 : vector<256x2048xf32>
    %slice3A_145 = vector.extract_strided_slice %dot_general3A_98 {offsets = [0, 1], sizes = [256, 1], strides = [1, 1]} : vector<256x2xf32> to vector<256x1xf32>
    %slice3A_146 = vector.extract_strided_slice %dot_general3A_100 {offsets = [1, 0], sizes = [1, 2048], strides = [1, 1]} : vector<2x2048xf32> to vector<1x2048xf32>
    %eq3A_147 = vector.broadcast %slice3A_145 : vector<256x1xf32> to vector<256x2048xf32>
    %eq3A_148 = vector.broadcast %slice3A_146 : vector<1x2048xf32> to vector<256x2048xf32>
    %eq3A_149 = arith.cmpf oeq, %eq3A_147, %eq3A_148 : vector<256x2048xf32>
    %and3A_150 = arith.andi %eq3A_144, %eq3A_149 : vector<256x2048xi1>
    %or3A = arith.ori %and3A_139, %and3A_150 : vector<256x2048xi1>
    %convert_element_type3A_151 = arith.extui %or3A : vector<256x2048xi1> to vector<256x2048xi32>
    %reduce_sum3A = vector.shape_cast %convert_element_type3A_151 : vector<256x2048xi32> to vector<1x256x2048xi32>
    %reduce_sum3A_152 = arith.constant dense<0> : vector<1xi32>
    %reduce_sum3A_153 = vector.multi_reduction <add>, %reduce_sum3A, %reduce_sum3A_152 [1, 2] : vector<1x256x2048xi32> to vector<1xi32>
    %reduce_sum3A_154 = vector.shape_cast %reduce_sum3A_153 : vector<1xi32> to vector<1x1x1xi32>
    %reduce_sum3A_155 = vector.extract %reduce_sum3A_154[0, 0, 0] : i32 from vector<1x1x1xi32>
    %gt3A_156 = arith.constant 0 : i32
    %gt3A_157 = arith.cmpi sgt, %reduce_sum3A_155, %gt3A_156 : i32
    %broadcast_in_dim3A_158 = arith.constant -1 : i32
    %broadcast_in_dim3A_159 = vector.broadcast %broadcast_in_dim3A_158 : i32 to vector<1x256x64xi32>
    %swap3A = arith.constant 0 : index
    %swap3A_160 = arith.constant 0 : index
    %swap3A_161 = arith.constant 0 : index
    %swap3A_162 = vector.load %arg6[%swap3A, %swap3A_160, %swap3A_161] : memref<1x256x64xi32, #tpu.memory_space<vmem>>, vector<1x256x64xi32>
    tpu.vector_store %arg6[%swap3A, %swap3A_160, %swap3A_161], %broadcast_in_dim3A_159 {strides = array<i32>} : memref<1x256x64xi32, #tpu.memory_space<vmem>>, vector<1x256x64xi32>,
    %broadcast_in_dim3A_163 = arith.constant -3.40282347E+38 : f32
    %broadcast_in_dim3A_164 = vector.broadcast %broadcast_in_dim3A_163 : f32 to vector<1x256x64xf32>
    %swap3A_165 = arith.constant 0 : index
    %swap3A_166 = arith.constant 0 : index
    %swap3A_167 = arith.constant 0 : index
    %swap3A_168 = vector.load %arg7[%swap3A_165, %swap3A_166, %swap3A_167] : memref<1x256x64xf32, #tpu.memory_space<vmem>>, vector<1x256x64xf32>
    tpu.vector_store %arg7[%swap3A_165, %swap3A_166, %swap3A_167], %broadcast_in_dim3A_164 {strides = array<i32>} : memref<1x256x64xf32, #tpu.memory_space<vmem>>, vector<1x256x64xf32>,
    %convert_element_type3A_169 = arith.extui %gt3A_157 : i1 to i32
    %cond3A = arith.constant 0 : i32
    %cond3A_170 = arith.cmpi ne, %convert_element_type3A_169, %cond3A : i32
    scf.if %cond3A_170 {
      %broadcast_in_dim3A_171 = arith.constant false
      %broadcast_in_dim3A_172 = vector.broadcast %broadcast_in_dim3A_171 : i1 to vector<256x2048xi1>
      %broadcast_in_dim3A_173 = arith.constant false
      %broadcast_in_dim3A_174 = vector.broadcast %broadcast_in_dim3A_173 : i1 to vector<256x2048xi1>
      %slice3A_175 = vector.extract_strided_slice %sub3A_76 {offsets = [0, 0], sizes = [256, 1], strides = [1, 1]} : vector<256x4xf32> to vector<256x1xf32>
      %slice3A_176 = vector.extract_strided_slice %sub3A_84 {offsets = [0, 0], sizes = [1, 2048], strides = [1, 1]} : vector<4x2048xf32> to vector<1x2048xf32>
      %eq3A_177 = vector.broadcast %slice3A_175 : vector<256x1xf32> to vector<256x2048xf32>
      %eq3A_178 = vector.broadcast %slice3A_176 : vector<1x2048xf32> to vector<256x2048xf32>
      %eq3A_179 = arith.cmpf oeq, %eq3A_177, %eq3A_178 : vector<256x2048xf32>
      %or3A_180 = arith.ori %broadcast_in_dim3A_174, %eq3A_179 : vector<256x2048xi1>
      %slice3A_181 = vector.extract_strided_slice %sub3A_76 {offsets = [0, 1], sizes = [256, 1], strides = [1, 1]} : vector<256x4xf32> to vector<256x1xf32>
      %slice3A_182 = vector.extract_strided_slice %sub3A_84 {offsets = [1, 0], sizes = [1, 2048], strides = [1, 1]} : vector<4x2048xf32> to vector<1x2048xf32>
      %eq3A_183 = vector.broadcast %slice3A_181 : vector<256x1xf32> to vector<256x2048xf32>
      %eq3A_184 = vector.broadcast %slice3A_182 : vector<1x2048xf32> to vector<256x2048xf32>
      %eq3A_185 = arith.cmpf oeq, %eq3A_183, %eq3A_184 : vector<256x2048xf32>
      %or3A_186 = arith.ori %or3A_180, %eq3A_185 : vector<256x2048xi1>
      %slice3A_187 = vector.extract_strided_slice %sub3A_76 {offsets = [0, 2], sizes = [256, 1], strides = [1, 1]} : vector<256x4xf32> to vector<256x1xf32>
      %slice3A_188 = vector.extract_strided_slice %sub3A_84 {offsets = [2, 0], sizes = [1, 2048], strides = [1, 1]} : vector<4x2048xf32> to vector<1x2048xf32>
      %eq3A_189 = vector.broadcast %slice3A_187 : vector<256x1xf32> to vector<256x2048xf32>
      %eq3A_190 = vector.broadcast %slice3A_188 : vector<1x2048xf32> to vector<256x2048xf32>
      %eq3A_191 = arith.cmpf oeq, %eq3A_189, %eq3A_190 : vector<256x2048xf32>
      %or3A_192 = arith.ori %or3A_186, %eq3A_191 : vector<256x2048xi1>
      %slice3A_193 = vector.extract_strided_slice %sub3A_76 {offsets = [0, 3], sizes = [256, 1], strides = [1, 1]} : vector<256x4xf32> to vector<256x1xf32>
      %slice3A_194 = vector.extract_strided_slice %sub3A_84 {offsets = [3, 0], sizes = [1, 2048], strides = [1, 1]} : vector<4x2048xf32> to vector<1x2048xf32>
      %eq3A_195 = vector.broadcast %slice3A_193 : vector<256x1xf32> to vector<256x2048xf32>
      %eq3A_196 = vector.broadcast %slice3A_194 : vector<1x2048xf32> to vector<256x2048xf32>
      %eq3A_197 = arith.cmpf oeq, %eq3A_195, %eq3A_196 : vector<256x2048xf32>
      %or3A_198 = arith.ori %or3A_192, %eq3A_197 : vector<256x2048xi1>
      %and3A_199 = arith.andi %and3A_139, %or3A_198 : vector<256x2048xi1>
      %or3A_200 = arith.ori %broadcast_in_dim3A_172, %and3A_199 : vector<256x2048xi1>
      %broadcast_in_dim3A_201 = arith.constant false
      %broadcast_in_dim3A_202 = vector.broadcast %broadcast_in_dim3A_201 : i1 to vector<256x2048xi1>
      %slice3A_203 = vector.extract_strided_slice %sub3A_120 {offsets = [0, 0], sizes = [256, 1], strides = [1, 1]} : vector<256x4xf32> to vector<256x1xf32>
      %slice3A_204 = vector.extract_strided_slice %sub3A_128 {offsets = [0, 0], sizes = [1, 2048], strides = [1, 1]} : vector<4x2048xf32> to vector<1x2048xf32>
      %eq3A_205 = vector.broadcast %slice3A_203 : vector<256x1xf32> to vector<256x2048xf32>
      %eq3A_206 = vector.broadcast %slice3A_204 : vector<1x2048xf32> to vector<256x2048xf32>
      %eq3A_207 = arith.cmpf oeq, %eq3A_205, %eq3A_206 : vector<256x2048xf32>
      %or3A_208 = arith.ori %broadcast_in_dim3A_202, %eq3A_207 : vector<256x2048xi1>
      %slice3A_209 = vector.extract_strided_slice %sub3A_120 {offsets = [0, 1], sizes = [256, 1], strides = [1, 1]} : vector<256x4xf32> to vector<256x1xf32>
      %slice3A_210 = vector.extract_strided_slice %sub3A_128 {offsets = [1, 0], sizes = [1, 2048], strides = [1, 1]} : vector<4x2048xf32> to vector<1x2048xf32>
      %eq3A_211 = vector.broadcast %slice3A_209 : vector<256x1xf32> to vector<256x2048xf32>
      %eq3A_212 = vector.broadcast %slice3A_210 : vector<1x2048xf32> to vector<256x2048xf32>
      %eq3A_213 = arith.cmpf oeq, %eq3A_211, %eq3A_212 : vector<256x2048xf32>
      %or3A_214 = arith.ori %or3A_208, %eq3A_213 : vector<256x2048xi1>
      %slice3A_215 = vector.extract_strided_slice %sub3A_120 {offsets = [0, 2], sizes = [256, 1], strides = [1, 1]} : vector<256x4xf32> to vector<256x1xf32>
      %slice3A_216 = vector.extract_strided_slice %sub3A_128 {offsets = [2, 0], sizes = [1, 2048], strides = [1, 1]} : vector<4x2048xf32> to vector<1x2048xf32>
      %eq3A_217 = vector.broadcast %slice3A_215 : vector<256x1xf32> to vector<256x2048xf32>
      %eq3A_218 = vector.broadcast %slice3A_216 : vector<1x2048xf32> to vector<256x2048xf32>
      %eq3A_219 = arith.cmpf oeq, %eq3A_217, %eq3A_218 : vector<256x2048xf32>
      %or3A_220 = arith.ori %or3A_214, %eq3A_219 : vector<256x2048xi1>
      %slice3A_221 = vector.extract_strided_slice %sub3A_120 {offsets = [0, 3], sizes = [256, 1], strides = [1, 1]} : vector<256x4xf32> to vector<256x1xf32>
      %slice3A_222 = vector.extract_strided_slice %sub3A_128 {offsets = [3, 0], sizes = [1, 2048], strides = [1, 1]} : vector<4x2048xf32> to vector<1x2048xf32>
      %eq3A_223 = vector.broadcast %slice3A_221 : vector<256x1xf32> to vector<256x2048xf32>
      %eq3A_224 = vector.broadcast %slice3A_222 : vector<1x2048xf32> to vector<256x2048xf32>
      %eq3A_225 = arith.cmpf oeq, %eq3A_223, %eq3A_224 : vector<256x2048xf32>
      %or3A_226 = arith.ori %or3A_220, %eq3A_225 : vector<256x2048xi1>
      %and3A_227 = arith.andi %and3A_150, %or3A_226 : vector<256x2048xi1>
      %or3A_228 = arith.ori %or3A_200, %and3A_227 : vector<256x2048xi1>
      %dot_general3A_229 = arith.constant dense<0.000000e+00> : vector<256x2048xf32>
      %dot_general3A_230 = tpu.matmul %get3A_3, %get3A_8, %dot_general3A_229 {dimension_numbers = #tpu.dot_dimension_numbers<[1], [1], [0], [0], [0, 0, 1, 0], [], []>, transpose_lhs_hint = false} : vector<256x64xf32>, vector<2048x64xf32>, vector<256x2048xf32> -> vector<256x2048xf32>
      %jit3A_231 = arith.constant -3.40282347E+38 : f32
      %broadcast_in_dim3A_232 = vector.broadcast %jit3A_231 : f32 to vector<256x2048xf32>
      %select_n3A_233 = arith.select %or3A_228, %dot_general3A_230, %broadcast_in_dim3A_232 : vector<256x2048xi1>, vector<256x2048xf32>
      %iota3A_234 = tpu.iota {dimensions = array<i32: 1>} : vector<256x2048xi32>
      %iota3A_235 = tpu.iota {dimensions = array<i32: 1>} : vector<256x64xi32>
      %broadcast_in_dim3A_236 = arith.constant -3.40282347E+38 : f32
      %broadcast_in_dim3A_237 = vector.broadcast %broadcast_in_dim3A_236 : f32 to vector<256x64xf32>
      %broadcast_in_dim3A_238 = arith.constant -1 : i32
      %broadcast_in_dim3A_239 = vector.broadcast %broadcast_in_dim3A_238 : i32 to vector<256x64xi32>
      %scan3A = arith.constant 0 : i32
      %scan3A_240 = arith.constant 64 : i32
      %scan3A_241 = arith.addi %scan3A, %scan3A_240 : i32
      %scan3A_242 = arith.constant 1 : i32
      %scan3A_243:3 = scf.for %scan3A_257 = %scan3A to %scan3A_241 step %scan3A_242 iter_args(%scan3A_258 = %select_n3A_233, %scan3A_259 = %broadcast_in_dim3A_237, %scan3A_260 = %broadcast_in_dim3A_239) -> (vector<256x2048xf32>, vector<256x64xf32>, vector<256x64xi32>)  : i32 {
        %reduce_max3A = arith.constant dense<0xFF800000> : vector<256xf32>
        %reduce_max3A_261 = vector.multi_reduction <maximumf>, %scan3A_258, %reduce_max3A [1] : vector<256x2048xf32> to vector<256xf32>
        %broadcast_in_dim3A_262 = vector.shape_cast %reduce_max3A_261 : vector<256xf32> to vector<256x1xf32>
        %eq3A_263 = vector.broadcast %broadcast_in_dim3A_262 : vector<256x1xf32> to vector<256x2048xf32>
        %eq3A_264 = arith.cmpf oeq, %scan3A_258, %eq3A_263 : vector<256x2048xf32>
        %jit3A_265 = arith.constant 2048 : i32
        %broadcast_in_dim3A_266 = vector.broadcast %jit3A_265 : i32 to vector<256x2048xi32>
        %select_n3A_267 = arith.select %eq3A_264, %iota3A_234, %broadcast_in_dim3A_266 : vector<256x2048xi1>, vector<256x2048xi32>
        %reduce_min3A = arith.constant dense<2147483647> : vector<256xi32>
        %reduce_min3A_268 = vector.multi_reduction <minsi>, %select_n3A_267, %reduce_min3A [1] : vector<256x2048xi32> to vector<256xi32>
        %broadcast_in_dim3A_269 = vector.shape_cast %reduce_min3A_268 : vector<256xi32> to vector<256x1xi32>
        %eq3A_270 = vector.broadcast %scan3A_257 : i32 to vector<256x64xi32>
        %eq3A_271 = arith.cmpi eq, %iota3A_235, %eq3A_270 : vector<256x64xi32>
        %broadcast_in_dim3A_272 = vector.shape_cast %broadcast_in_dim3A_262 : vector<256x1xf32> to vector<256x1xf32>
        %broadcast_in_dim3A_273 = vector.broadcast %broadcast_in_dim3A_272 : vector<256x1xf32> to vector<256x64xf32>
        %select_n3A_274 = arith.select %eq3A_271, %broadcast_in_dim3A_273, %scan3A_259 : vector<256x64xi1>, vector<256x64xf32>
        %gt3A_275 = arith.constant -3.40282347E+38 : f32
        %gt3A_276 = vector.broadcast %gt3A_275 : f32 to vector<256x1xf32>
        %gt3A_277 = arith.cmpf ogt, %broadcast_in_dim3A_262, %gt3A_276 : vector<256x1xf32>
        %jit3A_278 = arith.constant -1 : i32
        %broadcast_in_dim3A_279 = vector.broadcast %jit3A_278 : i32 to vector<256x1xi32>
        %select_n3A_280 = arith.select %gt3A_277, %broadcast_in_dim3A_269, %broadcast_in_dim3A_279 : vector<256x1xi1>, vector<256x1xi32>
        %broadcast_in_dim3A_281 = vector.shape_cast %select_n3A_280 : vector<256x1xi32> to vector<256x1xi32>
        %broadcast_in_dim3A_282 = vector.broadcast %broadcast_in_dim3A_281 : vector<256x1xi32> to vector<256x64xi32>
        %select_n3A_283 = arith.select %eq3A_271, %broadcast_in_dim3A_282, %scan3A_260 : vector<256x64xi1>, vector<256x64xi32>
        %eq3A_284 = vector.broadcast %broadcast_in_dim3A_269 : vector<256x1xi32> to vector<256x2048xi32>
        %eq3A_285 = arith.cmpi eq, %iota3A_234, %eq3A_284 : vector<256x2048xi32>
        %jit3A_286 = arith.constant -3.40282347E+38 : f32
        %broadcast_in_dim3A_287 = vector.broadcast %jit3A_286 : f32 to vector<256x2048xf32>
        %select_n3A_288 = arith.select %eq3A_285, %broadcast_in_dim3A_287, %scan3A_258 : vector<256x2048xi1>, vector<256x2048xf32>
        scf.yield %select_n3A_288, %select_n3A_274, %select_n3A_283 : vector<256x2048xf32>, vector<256x64xf32>, vector<256x64xi32>
      }
      %scan3A_244 = arith.constant 64 : i32
      %swap3A_245 = arith.constant 0 : index
      %swap3A_246 = arith.constant 0 : index
      %swap3A_247 = arith.constant 0 : index
      %swap3A_248 = vector.load %arg7[%swap3A_245, %swap3A_246, %swap3A_247] : memref<1x256x64xf32, #tpu.memory_space<vmem>>, vector<1x256x64xf32>
      %swap3A_249 = vector.shape_cast %swap3A_248 : vector<1x256x64xf32> to vector<256x64xf32>
      %swap3A_250 = vector.shape_cast %scan3A_243#1 : vector<256x64xf32> to vector<1x256x64xf32>
      tpu.vector_store %arg7[%swap3A_245, %swap3A_246, %swap3A_247], %swap3A_250 {strides = array<i32>} : memref<1x256x64xf32, #tpu.memory_space<vmem>>, vector<1x256x64xf32>,
      %swap3A_251 = arith.constant 0 : index
      %swap3A_252 = arith.constant 0 : index
      %swap3A_253 = arith.constant 0 : index
      %swap3A_254 = vector.load %arg6[%swap3A_251, %swap3A_252, %swap3A_253] : memref<1x256x64xi32, #tpu.memory_space<vmem>>, vector<1x256x64xi32>
      %swap3A_255 = vector.shape_cast %swap3A_254 : vector<1x256x64xi32> to vector<256x64xi32>
      %swap3A_256 = vector.shape_cast %scan3A_243#2 : vector<256x64xi32> to vector<1x256x64xi32>
      tpu.vector_store %arg6[%swap3A_251, %swap3A_252, %swap3A_253], %swap3A_256 {strides = array<i32>} : memref<1x256x64xi32, #tpu.memory_space<vmem>>, vector<1x256x64xi32>,
    } else {
    }
    return
  }
  func.func @transform_0(%arg0: i32, %arg1: i32) -> (i32, i32, i32) {
    %c0_i32 = arith.constant 0 : i32
    %c0_i32_0 = arith.constant 0 : i32
    return %arg0, %arg1, %c0_i32 : i32, i32, i32
  }
  func.func @transform_1(%arg0: i32, %arg1: i32) -> (i32, i32, i32) {
    %c0_i32 = arith.constant 0 : i32
    %c0_i32_0 = arith.constant 0 : i32
    %c0_i32_1 = arith.constant 0 : i32
    return %arg0, %c0_i32, %c0_i32_0 : i32, i32, i32
  }
  func.func @transform_2(%arg0: i32, %arg1: i32) -> (i32, i32) {
    %c0_i32 = arith.constant 0 : i32
    %c0_i32_0 = arith.constant 0 : i32
    %c0_i32_1 = arith.constant 0 : i32
    return %c0_i32, %c0_i32_0 : i32, i32
  }
  func.func @transform_3(%arg0: i32, %arg1: i32) -> (i32, i32) {
    %c0_i32 = arith.constant 0 : i32
    %c0_i32_0 = arith.constant 0 : i32
    %c0_i32_1 = arith.constant 0 : i32
    return %c0_i32, %c0_i32_0 : i32, i32
  }
  func.func @transform_4(%arg0: i32, %arg1: i32) -> (i32, i32, i32) {
    %c0_i32 = arith.constant 0 : i32
    %c0_i32_0 = arith.constant 0 : i32
    return %arg0, %arg1, %c0_i32 : i32, i32, i32
  }
  func.func @transform_5(%arg0: i32, %arg1: i32) -> (i32, i32, i32) {
    %c0_i32 = arith.constant 0 : i32
    %c0_i32_0 = arith.constant 0 : i32
    return %arg0, %arg1, %c0_i32 : i32, i32, i32
  }
}

</mosaic_0001>

<sc_bundles>
// kernel: _dispatch.4.cloned.1.call-start
scs
__scs_entry_jumppad:
0x0: {  	(pc) =	sbr.rel $0x88, $3  }
0x1: {  	(tag) =	ssettag $0x0;
	lr =	simm.s32 $0x1  }
0x2: {  	[smem:$0x3F9D] =	sst lr;
	_ =	strace $0xD0000000  }
0x3: {  	_ = 	snop  }
0x4: {  	_ = 	snop  }
0x5: {  	_ = 	snop  }
0x6: {  	_ = 	snop  }
0x7: {  	_ = 	snop  }
__scs_overlays_trampoline_lowered:
0x8: {  	[smem:$0x3FAC] =	sst s0  }
0x9: {  	[smem:$0x3FAD] =	sst s1  }
0xa: {  	[smem:$0x3FAE] =	sst s2  }
0xb: {  	[smem:$0x3FAF] =	sst s3  }
0xc: {  	[smem:$0x3FB0] =	sst s4  }
0xd: {  	[smem:$0x3FB1] =	sst s5  }
0xe: {  	[smem:$0x3FB2] =	sst s6  }
0xf: {  	[smem:$0x3FB3] =	sst s7  }
0x10: {  	[smem:$0x3FB4] =	sst s8  }
0x11: {  	[smem:$0x3FB5] =	sst s9;
	s0 =	simm.s32 @!p0 $0x0  }
0x12: {  	s1 =	sld [smem:$0x3F9B];
	s0 =	simm.s32 @p0 $0x1  }
0x13: {  	[smem:$0x3FB6] =	sst s0;
	s0 =	simm.s32 @!p1 $0x0  }
0x14: {  	s2 =	sld [smem:$0x3F9A];
	s0 =	simm.s32 @p1 $0x1  }
0x15: {  	[smem:$0x3FB7] =	sst s0;
	s0 =	simm.s32 @!p2 $0x0  }
0x16: {  	s3 =	sld [smem:$0x3FDB];
	s0 =	simm.s32 @p2 $0x1  }
0x17: {  	s4 =	simm.s32 $0x1BF5;
	[smem:$0x3FB9] =	sst s0  }
0x18: {  	s0 =	sld [smem:$0x3F9C];
	_ =	swait.ge [sflag:s4], $0x0  }
0x19: {  	s7 =	sld [smem:$0x3F9D]  }
0x1a: {  	s8 =	sadd.s32 $0xFFFFE003, lr  }
0x1b: {  	s9 =	sadd.s32 $0xFFFFFEF7, lr;
	s5 =	simm.s32 $0xFFFFFFFF;
	p2 =	slt.u32 s8, $0xFFFFF086  }
0x1c: {  	p1 =	slt.u32 s9, $0xF7A;
	s5 =	simm.s32 @!p2 $0x0  }
0x1d: {  	s5 =	simm.s32 @p1 $0x1;
	p0 =	seq.s32 s7, s2  }
0x1e: {  	s7 =	smul.u32 @!p0 $0xF7A, s2;
	p2 =	seq.s32 @!p0 s5, $0x0  }
0x1f: {  	s9 =	smul.u32 $0xF7A, s1;
	s8 =	simm.s32 @!p0 $0x1BF5;
	p2 =	por !p2, p0  }
0x20: {  	[sflag:s8] =	ssyncset.s32 @!p0 $0xFFFFF086;
	s6 =	sadd.s32 @!p0 s3, s7;
	s7 =	simm.s32 @!p0 $0x108  }
0x21: {  	s3 =	sadd.s32 s3, s9;
	s6 =	sadd.s32 @!p0 $0x88, s6;
	s7 =	simm.s32 @p2 $0x1082  }
0x22: {  	[simem:s7], [sflag:s8] =	dma.local @!p0 [hbm:s6], $0xF7A  }
0x23: {  	s9 =	sor.u32 $0xD0000000, s2;
	s6 =	simm.s32 $0x108;
	_ =	swait.ge @!p0 [sflag:s8], $0x0  }
0x24: {  	s3 =	sadd.s32 $0x88, s3;
	s6 =	simm.s32 @!p1 $0x1082;
	[sflag:s4] =	ssyncset.s32 $0xFFFFF086  }
0x25: {  	[simem:s6], [sflag:s4] =	dma.local [hbm:s3], $0xF7A  }
0x26: {  	[smem:$0x3F9D] =	sst s1;
	(tag) =	ssettag s2;
	_ =	strace s9  }
0x27: {  	s1 =	sld [smem:$0x3FAD]  }
0x28: {  	s2 =	sld [smem:$0x3FAE]  }
0x29: {  	s4 =	sld [smem:$0x3FB0]  }
0x2a: {  	p0 =	seq.s32 s5, $0x0;
	s5 =	sld [smem:$0x3FB1]  }
0x2b: {  	s6 =	sld [smem:$0x3FB2]  }
0x2c: {  	s7 =	sld [smem:$0x3FB3]  }
0x2d: {  	s3 =	simm.s32 $0x108;
	s8 =	sld [smem:$0x3FB4]  }
0x2e: {  	s3 =	simm.s32 @!p0 $0x1082;
	s9 =	sld [smem:$0x3FB5]  }
0x2f: {  	lr =	sadd.s32 s0, s3;
	s0 =	sld [smem:$0x3FAC]  }
0x30: {  	s3 =	sld [smem:$0x3FAF]  }
0x31: {  	[smem:$0x3FB8] =	sst s10  }
0x32: {  	s10 =	sld [smem:$0x3FB6];
	_ =	sdelay $0x3  }
0x33: {  	p0 =	seq.s32 s10, $0x1;
	s10 =	sld [smem:$0x3FB8];
	_ =	sdelay $0x3  }
0x34: {  	[smem:$0x3FB8] =	sst s10  }
0x35: {  	s10 =	sld [smem:$0x3FB7];
	_ =	sdelay $0x3  }
0x36: {  	p1 =	seq.s32 s10, $0x1;
	s10 =	sld [smem:$0x3FB8];
	_ =	sdelay $0x3  }
0x37: {  	[smem:$0x3FB8] =	sst s10  }
0x38: {  	s10 =	sld [smem:$0x3FB9]  }
0x39: {  	_ = 	snop;
	(pc) =	sbr.ind lr, $3  }
0x3a: {  	_ = 	snop  }
0x3b: {  	_ = 	snop  }
0x3c: {  	p2 =	seq.s32 s10, $0x1;
	s10 =	sld [smem:$0x3FB8]  }
0x3d: {  	_ =	shalt  }
0x3e: {  	_ =	shalt  }
0x3f: {  	_ =	shalt  }
0x40: {  	_ =	shalt  }
0x41: {  	_ =	shalt  }
0x42: {  	_ =	shalt  }
0x43: {  	_ =	shalt  }
0x44: {  	_ =	shalt  }
0x45: {  	_ =	shalt  }
0x46: {  	_ =	shalt  }
0x47: {  	_ =	shalt  }
0x48: {  	_ =	shalt  }
0x49: {  	_ =	shalt  }
0x4a: {  	_ =	shalt  }
0x4b: {  	_ =	shalt  }
0x4c: {  	_ =	shalt  }
0x4d: {  	_ =	shalt  }
0x4e: {  	_ =	shalt  }
0x4f: {  	_ =	shalt  }
0x50: {  	_ =	shalt  }
0x51: {  	_ =	shalt  }
0x52: {  	_ =	shalt  }
0x53: {  	_ =	shalt  }
0x54: {  	_ =	shalt  }
0x55: {  	_ =	shalt  }
0x56: {  	_ =	shalt  }
0x57: {  	_ =	shalt  }
0x58: {  	_ =	shalt  }
0x59: {  	_ =	shalt  }
0x5a: {  	_ =	shalt  }
0x5b: {  	_ =	shalt  }
0x5c: {  	_ =	shalt  }
0x5d: {  	_ =	shalt  }
0x5e: {  	_ =	shalt  }
0x5f: {  	_ =	shalt  }
0x60: {  	_ =	shalt  }
0x61: {  	_ =	shalt  }
0x62: {  	_ =	shalt  }
0x63: {  	_ =	shalt  }
0x64: {  	_ =	shalt  }
0x65: {  	_ =	shalt  }
0x66: {  	_ =	shalt  }
0x67: {  	_ =	shalt  }
0x68: {  	_ =	shalt  }
0x69: {  	_ =	shalt  }
0x6a: {  	_ =	shalt  }
0x6b: {  	_ =	shalt  }
0x6c: {  	_ =	shalt  }
0x6d: {  	_ =	shalt  }
0x6e: {  	_ =	shalt  }
0x6f: {  	_ =	shalt  }
0x70: {  	_ =	shalt  }
0x71: {  	_ =	shalt  }
0x72: {  	_ =	shalt  }
0x73: {  	_ =	shalt  }
0x74: {  	_ =	shalt  }
0x75: {  	_ =	shalt  }
0x76: {  	_ =	shalt  }
0x77: {  	_ =	shalt  }
0x78: {  	_ =	shalt  }
0x79: {  	_ =	shalt  }
0x7a: {  	_ =	shalt  }
0x7b: {  	_ =	shalt  }
0x7c: {  	_ =	shalt  }
0x7d: {  	_ =	shalt  }
0x7e: {  	_ =	shalt  }
0x7f: {  	_ =	shalt  }
0x80: {  	_ =	shalt  }
0x81: {  	_ =	shalt  }
0x82: {  	_ =	shalt  }
0x83: {  	_ =	shalt  }
0x84: {  	_ =	shalt  }
0x85: {  	_ =	shalt  }
0x86: {  	_ =	shalt  }
0x87: {  	_ =	shalt  }
.Lfunc_end0:
.L_simem_size_0:
called_computation_lowered:
.L_overlay_start_0:
0x88: {  	s2 =	sld [smem:$0x3FD9]  }
0x89: {  	s3 =	sld [smem:$0x3FFE];
	_ =	sdelay $0x1  }
0x8a: {  	s1 =	srdreg.scid  }
0x8b: {  	s0 =	sand.u32 $0x1, s1  }
0x8c: {  	s14 =	sshll.u32 s0, $0xA;
	s2 =	sadd.s32 s3, s2  }
0x8d: {  	s2 =	sadd.s32 s2, s14  }
0x8e: {  	[smem:$0x3FC4] =	sst s2  }
0x8f: {  	_ = 	snop  }
0x90: {  	s2 =	sld [smem:$0x3FD0];
	_ =	sdelay $0x2  }
0x91: {  	s15 =	simm.s32 $0xA;
	s4 =	simm.s32 $0x10  }
0x92: {  	[smem:s4], [sflag:s15] =	dma.local [hbm:s2], $0x1  }
0x93: {  	_ =	swait.eq [sflag:s15], $0x1  }
0x94: {  	[sflag:s15] =	ssyncset.done $0x0  }
0x95: {  	s16 =	sld [smem:$0x10];
	[sflag:s15] =	ssyncadd.s32 $0xFFFFFFFF  }
0x96: {  	s17 =	sld [smem:$0x11];
	(tm) =	ssettm $0x1  }
0x97: {  	s18 =	sld [smem:$0x3FFB];
	_ =	sdelay $0x3  }
0x98: {  	_ =	strace s18  }
0x99: {  	s4 =	sld [smem:$0x3FFC];
	_ =	sdelay $0x3  }
0x9a: {  	_ =	strace s4  }
0x9b: {  	s4 =	sld [smem:$0x3FFD];
	_ =	sdelay $0x3  }
0x9c: {  	_ =	strace s4  }
0x9d: {  	_ =	strace $0x8FFFFFFF  }
0x9e: {  	s19 =	sld [smem:$0x3FDB];
	_ =	sdelay $0x1  }
0x9f: {  	s5 =	simm.s32 $_scs_section_size  }
0xa0: {  	s6 =	simm.s32 $_size__tile_overlayer_lowered;
	s7 =	simm.s32 $_tile_overlayer_lowered  }
0xa1: {  	s22 =	simm.s32 $0x1BFF;
	s21 =	sshll.u32 s7, $0x1;
	s4 =	sadd.s32 s5, s19  }
0xa2: {  	s8 =	simm.s32 $0x0;
	s20 =	sshll.u32 s6, $0x1;
	s6 =	sadd.s32 s21, s4  }
0xa3: {  	[timem:s8], [sflag:s22] =	dma.local [hbm:s6], s20  }
0xa4: {  	_ =	swait.ge [sflag:s22], s20  }
0xa5: {  	s5 =	ssub.s32 $0x0, s20;
	[sflag:s22] =	ssyncset.done $0x0  }
0xa6: {  	[sflag:s22] =	ssyncadd.s32 s5;
	_ =	sdelay $0x1  }
0xa7: {  	s23 =	simm.s32 $0x1B8B  }
0xa8: {  	_ =	swait.ge [sflag:s23], $0x1  }
0xa9: {  	[sflag:s23] =	ssyncset.done $0x0  }
0xaa: {  	s25 =	simm.s32 $0x1B8E;
	s24 =	sld [smem:$0x3FFE];
	[sflag:s23] =	ssyncadd.s32 $0xFFFFFFFF  }
0xab: {  	s26 =	simm.s32 $execute0_lowered;
	[smem:$0x3FD2] =	sst s25  }
0xac: {  	s6 =	sshll.u32 s26, $0x1;
	_ =	strace $0x80000046;
	[dreg:$0x1] =	wrdreg $0xFFFFFFFF  }
0xad: {  	s28 =	simm.s32 $_size_execute0_lowered;
	s4 =	sadd.s32 s4, s6;
	[dreg:$0x0] =	wrdreg $0x0  }
0xae: {  	s6 =	sshll.u32 s28, $0x1;
	[dreg:$0x2] =	wrdreg s4  }
0xaf: {  	[dreg:$0x3] =	wrdreg s6  }
0xb0: {  	[dreg:$0x4] =	wrdreg $0xC0  }
0xb1: {  	_ =	task [dreg:s8], $0x5FFFF  }
0xb2: {  	[dreg:$0x1] =	wrdreg $0xFFFFFFFF  }
0xb3: {  	[dreg:$0x0] =	wrdreg $0x60  }
0xb4: {  	[dreg:$0x2] =	wrdreg s17  }
0xb5: {  	[dreg:$0x3] =	wrdreg s16  }
0xb6: {  	[dreg:$0x4] =	wrdreg s24  }
0xb7: {  	[dreg:$0x5] =	wrdreg $0x9  }
0xb8: {  	_ =	task.clear_ibuf [dreg:s8], $0x6FFFF;
	_ =	strace $0x90000046  }
0xb9: {  	s29 =	simm.s32 $0x9;
	_ =	strace $0x8000004C  }
0xba: {  	_ =	swait.ge [sflag:s29], $0x1  }
0xbb: {  	[sflag:s29] =	ssyncadd.s32 $0xFFFFFFFF  }
0xbc: {  	_ =	strace $0x9000004C  }
0xbd: {  	_ =	sfence  }
0xbe: {  	s30 =	sld [smem:$0x0];
	_ =	sdelay $0x2  }
0xbf: {  	s31 =	sshll.u32 s1, $0xD;
	s1 =	sshrl.u32 s1, $0x2  }
0xc0: {  	s3 =	sand.u32 $0x4000, s31;
	s1 =	sadd.s32 s1, s30  }
0xc1: {  	s0 =	sor.u32 s3, s0;
	s1 =	sshll.u32 s1, $0x11  }
0xc2: {  	s0 =	sor.u32 s1, s0  }
0xc3: {  	s0 =	sadd.s32 $0x8F2B, s0  }
0xc4: {  	[sflag:s0] =	ssyncadd.remote.s32 $0x1  }
0xc5: {  	_ =	sfence.sel $0xFFFF  }
0xc6: {  	[dreg:$0x0] =	wrdreg $0xFFFFFFFF;
	(pc) =	sbr.abs _section_cstart, $3  }
0xc7: {  	[dreg:$0x1] =	wrdreg $0xFFFFFFFF  }
0xc8: {  	_ =	task.clear_ibuf [dreg:s8], $0x2FFFF;
	_ =	strace $0x9FFFFFFF  }
0xc9: {  	(tm) =	ssettm $0x7FFFFFFF  }
tec
execute0_lowered:
.L_overlay_start_1:
0x0: {  	(tag) =	ssettag $0x1  }
0x1: {  	s5 =	rddreg [dreg:$0x0]  }
0x2: {  	s6 =	rddreg [dreg:$0x1]  }
0x3: {  	s3 =	rddreg [dreg:$0x2];
	s1 =	srdreg.scid  }
0x4: {  	s0 =	rddreg [dreg:$0x3];
	s2 =	simm.s32 $0x0;
	s11 =	simm.s32 $0x1080  }
0x5: {  	s12 =	simm.s32 $0x1;
	s13 =	simm.s32 $0x2;
	s14 =	simm.s32 $0x3  }
0x6: {  	s15 =	simm.s32 $0x4;
	s16 =	simm.s32 $0x1100;
	s17 =	simm.s32 $0x5100  }
0x7: {  	s18 =	simm.s32 $0x9100;
	s19 =	simm.s32 $0xD100;
	s20 =	simm.s32 $0x11100  }
0x8: {  	s21 =	simm.s32 $0x5;
	s22 =	simm.s32 $0x0;
	s4 =	sand.u32 $0x1, s1  }
0x9: {  	s1 =	stileid.u32;
	[smem:$0x7FF] =	sst s2;
	s7 =	sshll.u32 s4, $0x8  }
0xa: {  	s8 =	sshll.u32 s1, $0x4;
	_ =	strace $0x80000047;
	s4 =	ssub.s32 $0x2, s4  }
.Ltmp0:
0xb: {  	s8 =	sor.u32 s8, s7;
	s31 =	sshrl.u32 s4, $0x1;
	(pc) =	sbr.rel .LBB2_1-.Ltmp0, $4  }
0xc: {  	s7 =	sadd.s32 s7, s3;
	s9 =	sshrl.u32 s8, $0x3;
	s10 =	ssub.s32 s4, s31  }
0xd: {  	s4 =	sadd.s32 $0x1800, s7;
	s5 =	sadd.s32 s5, s8;
	s6 =	sadd.s32 s6, s8  }
0xe: {  	v0 =	vimm.s32 $0x0;
	s9 =	sadd.s32 s9, s3;
	s3 =	sadd.s32 $0x1600, s7;
	s8 =	smax.u32 s10, $0x1  }
0xf: {  	v1 =	vimm.s32 $0x1;
	vm0 =	vmxor vm0, vm0;
	v2 =	vlaneseq.u32;
	s10 =	simm.s32 $0x1000;
	s7 =	sadd.s32 $0x1A00, s9;
	s9 =	simm.s32 $0x800  }
.LBB2_14:
0x10: {  	_ =	strace $0x9000004B  }
0x11: {  	v3 =	vld [tilespmem:$0x11100]  }
0x12: {  	v4 =	vld [tilespmem:$0x11110]  }
0x13: {  	v5 =	vld [tilespmem:$0x11120]  }
0x14: {  	v6 =	vld [tilespmem:$0x11130]  }
0x15: {  	v7 =	vld [tilespmem:$0x11140]  }
0x16: {  	v8 =	vld [tilespmem:$0x11150]  }
0x17: {  	v62 =	vld [tilespmem:$0x11160];
	v3 =	vor.u32 v3, v4  }
0x18: {  	v63 =	vld [tilespmem:$0x11170];
	v3 =	vor.u32 v3, v5  }
0x19: {  	v3 =	vor.u32 v3, v6  }
0x1a: {  	v3 =	vor.u32 v3, v7  }
0x1b: {  	v3 =	vor.u32 v3, v8  }
0x1c: {  	s22 =	sadd.s32 $0x1, s22;
	v3 =	vor.u32 v3, v62  }
0x1d: {  	p0 =	sne.s32 s22, s8;
	v3 =	vor.u32 v3, v63  }
.Ltmp1:
0x1e: {  	[tilespmem:$0x11100] =	vst v3;
	(pc) =	sbr.rel @!p0 .LBB2_15-.Ltmp1, $4  }
0x1f: {  	[hbm4b:s7+s2] =	stream.linear.scatter [tilespmem:s20], [sflag:$0x5], $0x10, $0x38;
	[tilespmem:$0x11180] =	vst v63  }
0x20: {  	_ =	swait.ge [sflag:s21], $0x10  }
0x21: {  	[sflag:s21] =	ssyncset.done $0x0  }
0x22: {  	[sflag:s21] =	ssyncadd.s32 $0xFFFFFFF0  }
.LBB2_1:
0x23: {  	[tilespmem:s2], [sflag:$0x1] =	stream.linear.gather [hbm4b:s3+s2], $0x800, $0x38;
	[tilespmem:$0x11180] =	vst v63  }
0x24: {  	_ = 	snop  }
0x25: {  	[tilespmem:s9], [sflag:$0x2] =	stream.linear.gather [hbm4b:s4+s2], $0x800, $0x38;
	[tilespmem:$0x11180] =	vst v63  }
0x26: {  	_ = 	snop  }
0x27: {  	[tilespmem:s10], [sflag:$0x3] =	stream.linear.gather [hbm4b:s5+s2], $0x80, $0x38;
	[tilespmem:$0x11180] =	vst v63  }
0x28: {  	_ = 	snop  }
0x29: {  	[tilespmem:s11], [sflag:$0x4] =	stream.linear.gather [hbm4b:s6+s2], $0x80, $0x38;
	[tilespmem:$0x11180] =	vst v63  }
0x2a: {  	s23 =	simm.s32 $0x0;
	s24 =	simm.s32 $0x200;
	_ =	strace $0x80000048  }
.LBB2_2:
0x2b: {  	p0 =	sne.s32 s24, $0xFE00;
	[tilespmem:s23+$0xD170] =	vst v0  }
0x2c: {  	[tilespmem:s23+$0x9100] =	vst v0  }
0x2d: {  	[tilespmem:s23+$0xD100] =	vst v0  }
0x2e: {  	[tilespmem:s23+$0x9110] =	vst v0  }
0x2f: {  	[tilespmem:s23+$0xD110] =	vst v0  }
0x30: {  	[tilespmem:s23+$0x9120] =	vst v0  }
0x31: {  	[tilespmem:s23+$0xD120] =	vst v0  }
0x32: {  	[tilespmem:s23+$0x9130] =	vst v0  }
0x33: {  	[tilespmem:s23+$0xD130] =	vst v0  }
0x34: {  	[tilespmem:s23+$0x9140] =	vst v0  }
0x35: {  	[tilespmem:s23+$0xD140] =	vst v0  }
.Ltmp2:
0x36: {  	[tilespmem:s23+$0x9150] =	vst v0;
	(pc) =	sbr.rel @p0 .LBB2_2-.Ltmp2, $4  }
0x37: {  	[tilespmem:s23+$0xD150] =	vst v0  }
0x38: {  	[tilespmem:s23+$0x9160] =	vst v0  }
0x39: {  	[tilespmem:s23+$0xD160] =	vst v0  }
0x3a: {  	[tilespmem:s23+$0x9170] =	vst v0;
	s23 =	sshra.s32 s24, $0x2;
	s24 =	sadd.s32 $0x200, s24  }
0x3b: {  	[tilespmem:s23+$0xD170] =	vst v0  }
0x3c: {  	[tilespmem:s23+$0x9100] =	vst v0  }
0x3d: {  	[tilespmem:s23+$0xD100] =	vst v0  }
0x3e: {  	[tilespmem:s23+$0x9110] =	vst v0  }
0x3f: {  	[tilespmem:s23+$0xD110] =	vst v0  }
0x40: {  	[tilespmem:s23+$0x9120] =	vst v0  }
0x41: {  	[tilespmem:s23+$0xD120] =	vst v0  }
0x42: {  	[tilespmem:s23+$0x9130] =	vst v0  }
0x43: {  	[tilespmem:s23+$0xD130] =	vst v0  }
0x44: {  	[tilespmem:s23+$0x9140] =	vst v0  }
0x45: {  	[tilespmem:s23+$0xD140] =	vst v0  }
0x46: {  	[tilespmem:s23+$0x9150] =	vst v0  }
0x47: {  	[tilespmem:s23+$0xD150] =	vst v0  }
0x48: {  	[tilespmem:s23+$0x9160] =	vst v0  }
0x49: {  	[tilespmem:s23+$0xD160] =	vst v0  }
0x4a: {  	[tilespmem:s23+$0x9170] =	vst v0  }
0x4b: {  	_ =	strace $0x90000048  }
0x4c: {  	_ =	swait.ge [sflag:s12], $0x800  }
0x4d: {  	[sflag:s12] =	ssyncset.done $0x0  }
0x4e: {  	[sflag:s12] =	ssyncadd.s32 $0xFFFFF800  }
0x4f: {  	_ =	swait.ge [sflag:s13], $0x800  }
0x50: {  	[sflag:s13] =	ssyncset.done $0x0  }
0x51: {  	[sflag:s13] =	ssyncadd.s32 $0xFFFFF800  }
0x52: {  	_ =	swait.ge [sflag:s14], $0x80  }
0x53: {  	[sflag:s14] =	ssyncset.done $0x0  }
0x54: {  	[sflag:s14] =	ssyncadd.s32 $0xFFFFFF80  }
0x55: {  	_ =	swait.ge [sflag:s15], $0x80  }
0x56: {  	[sflag:s15] =	ssyncset.done $0x0  }
0x57: {  	[sflag:s15] =	ssyncadd.s32 $0xFFFFFF80  }
0x58: {  	s23 =	simm.s32 $0x0;
	_ =	strace $0x80000049  }
.LBB2_4:
0x59: {  	s24 =	sshra.s32 s23, $0x2  }
0x5a: {  	v3 =	vld [tilespmem:s24+$0x0]  }
0x5b: {  	v4 =	vld [tilespmem:s24+$0x800];
	_ =	sdelay $0x3  }
0x5c: {  	v5 =	vand.u32 $0x3FFF, v3  }
0x5d: {  	v6 =	vand.u32 $0x3FFF, v4;
	_ =	sdelay $0x3  }
0x5e: {  	[tilespmem:v5+s16+$0x0] =	vst.idx.msk $0xffff, v3  }
0x5f: {  	[tilespmem:v6+s17+$0x0] =	vst.idx.msk $0xffff, v4  }
0x60: {  	v3 =	vld [tilespmem:s24+$0x10]  }
0x61: {  	v4 =	vld [tilespmem:s24+$0x810];
	_ =	sdelay $0x3  }
0x62: {  	v58 =	vand.u32 $0x3FFF, v3  }
0x63: {  	v59 =	vand.u32 $0x3FFF, v4;
	_ =	sdelay $0x3  }
0x64: {  	[tilespmem:v58+s16+$0x0] =	vst.idx.msk $0xffff, v3  }
0x65: {  	[tilespmem:v59+s17+$0x0] =	vst.idx.msk $0xffff, v4  }
0x66: {  	v3 =	vld [tilespmem:s24+$0x20]  }
0x67: {  	v4 =	vld [tilespmem:s24+$0x820];
	_ =	sdelay $0x3  }
0x68: {  	v60 =	vand.u32 $0x3FFF, v3  }
0x69: {  	v61 =	vand.u32 $0x3FFF, v4;
	_ =	sdelay $0x3  }
0x6a: {  	[tilespmem:v60+s16+$0x0] =	vst.idx.msk $0xffff, v3  }
0x6b: {  	[tilespmem:v61+s17+$0x0] =	vst.idx.msk $0xffff, v4  }
0x6c: {  	v3 =	vld [tilespmem:s24+$0x30]  }
0x6d: {  	v4 =	vld [tilespmem:s24+$0x830];
	_ =	sdelay $0x3  }
0x6e: {  	v62 =	vand.u32 $0x3FFF, v3  }
0x6f: {  	p0 =	sne.s32 s23, $0x1F00;
	v63 =	vand.u32 $0x3FFF, v4  }
.Ltmp3:
0x70: {  	_ = 	snop;
	(pc) =	sbr.rel @p0 .LBB2_4-.Ltmp3, $3  }
0x71: {  	_ =	sdelay $0x1  }
0x72: {  	[tilespmem:v62+s16+$0x0] =	vst.idx.msk $0xffff, v3  }
0x73: {  	s23 =	sadd.s32 $0x100, s23;
	[tilespmem:v63+s17+$0x0] =	vst.idx.msk $0xffff, v4  }
0x74: {  	_ =	strace $0x90000049  }
0x75: {  	s23 =	simm.s32 $0x0;
	_ =	strace $0x8000004A  }
.LBB2_6:
0x76: {  	s24 =	sshra.s32 s23, $0x2  }
0x77: {  	v3 =	vld [tilespmem:s24+$0x0]  }
0x78: {  	v4 =	vld [tilespmem:s24+$0x800];
	_ =	sdelay $0x3  }
0x79: {  	v5 =	vand.u32 $0x3FFF, v3  }
0x7a: {  	v6 =	vand.u32 $0x3FFF, v4;
	_ =	sdelay $0x3  }
0x7b: {  	v7 =	vld.idx.msk [tilespmem:v5+s16+$0x0], $0xffff  }
0x7c: {  	v8 =	vld.idx.msk [tilespmem:v6+s17+$0x0], $0xffff;
	_ =	sdelay $0x3  }
0x7d: {  	vm1 =	vne.s32 v7, v3  }
0x7e: {  	vm2 =	vne.s32 v8, v4;
	_ =	sdelay $0x4  }
0x7f: {  	[tilespmem:v5+s18+$0x0] =	vst.idx.msk vm1, v1  }
0x80: {  	[tilespmem:v6+s19+$0x0] =	vst.idx.msk vm2, v1  }
0x81: {  	v3 =	vld [tilespmem:s24+$0x10]  }
0x82: {  	v49 =	vld [tilespmem:s24+$0x810];
	_ =	sdelay $0x3  }
0x83: {  	v50 =	vand.u32 $0x3FFF, v3  }
0x84: {  	v51 =	vand.u32 $0x3FFF, v49;
	_ =	sdelay $0x3  }
0x85: {  	v52 =	vld.idx.msk [tilespmem:v50+s16+$0x0], $0xffff  }
0x86: {  	v53 =	vld.idx.msk [tilespmem:v51+s17+$0x0], $0xffff;
	_ =	sdelay $0x3  }
0x87: {  	vm1 =	vne.s32 v52, v3  }
0x88: {  	vm2 =	vne.s32 v53, v49;
	_ =	sdelay $0x4  }
0x89: {  	[tilespmem:v50+s18+$0x0] =	vst.idx.msk vm1, v1  }
0x8a: {  	[tilespmem:v51+s19+$0x0] =	vst.idx.msk vm2, v1  }
0x8b: {  	v3 =	vld [tilespmem:s24+$0x20]  }
0x8c: {  	v54 =	vld [tilespmem:s24+$0x820];
	_ =	sdelay $0x3  }
0x8d: {  	v55 =	vand.u32 $0x3FFF, v3  }
0x8e: {  	v56 =	vand.u32 $0x3FFF, v54;
	_ =	sdelay $0x3  }
0x8f: {  	v57 =	vld.idx.msk [tilespmem:v55+s16+$0x0], $0xffff  }
0x90: {  	v58 =	vld.idx.msk [tilespmem:v56+s17+$0x0], $0xffff;
	_ =	sdelay $0x3  }
0x91: {  	vm1 =	vne.s32 v57, v3  }
0x92: {  	vm2 =	vne.s32 v58, v54;
	_ =	sdelay $0x4  }
0x93: {  	[tilespmem:v55+s18+$0x0] =	vst.idx.msk vm1, v1  }
0x94: {  	[tilespmem:v56+s19+$0x0] =	vst.idx.msk vm2, v1  }
0x95: {  	v3 =	vld [tilespmem:s24+$0x30]  }
0x96: {  	v59 =	vld [tilespmem:s24+$0x830];
	_ =	sdelay $0x3  }
0x97: {  	v60 =	vand.u32 $0x3FFF, v3  }
0x98: {  	v61 =	vand.u32 $0x3FFF, v59;
	_ =	sdelay $0x3  }
0x99: {  	v62 =	vld.idx.msk [tilespmem:v60+s16+$0x0], $0xffff  }
0x9a: {  	v63 =	vld.idx.msk [tilespmem:v61+s17+$0x0], $0xffff;
	_ =	sdelay $0x3  }
0x9b: {  	vm1 =	vne.s32 v62, v3  }
0x9c: {  	vm2 =	vne.s32 v63, v59  }
0x9d: {  	p0 =	sne.s32 s23, $0x1F00  }
.Ltmp4:
0x9e: {  	_ = 	snop;
	(pc) =	sbr.rel @p0 .LBB2_6-.Ltmp4, $3  }
0x9f: {  	_ =	sdelay $0x1  }
0xa0: {  	[tilespmem:v60+s18+$0x0] =	vst.idx.msk vm1, v1  }
0xa1: {  	s23 =	sadd.s32 $0x100, s23;
	[tilespmem:v61+s19+$0x0] =	vst.idx.msk vm2, v1  }
.Ltmp5:
0xa2: {  	(pc) =	sbr.rel .LBB2_8-.Ltmp5, $3  }
0xa3: {  	_ =	sdelay $0x1  }
0xa4: {  	_ =	strace $0x9000004A  }
0xa5: {  	s23 =	simm.s32 $0x0;
	_ =	strace $0x8000004B  }
.LBB2_13:
0xa6: {  	s23 =	sadd.s32 $0x1, s23  }
0xa7: {  	p0 =	sne.s32 s23, $0x8  }
.Ltmp6:
0xa8: {  	_ = 	snop;
	(pc) =	sbr.rel @!p0 .LBB2_14-.Ltmp6, $1  }
0xa9: {  	_ =	sdelay $0x3  }
.LBB2_8:
0xaa: {  	s24 =	sshll.u32 s23, $0x4  }
0xab: {  	v3 =	vld [tilespmem:s24+$0x1000]  }
0xac: {  	v4 =	vld [tilespmem:s24+$0x1080];
	_ =	sdelay $0x3  }
0xad: {  	v5 =	vand.u32 $0x3FFF, v3  }
0xae: {  	v6 =	vand.u32 $0x3FFF, v4;
	_ =	sdelay $0x3  }
0xaf: {  	v7 =	vld.idx.msk [tilespmem:v5+s16+$0x0], $0xffff  }
0xb0: {  	v8 =	vld.idx.msk [tilespmem:v6+s17+$0x0], $0xffff  }
0xb1: {  	v5 =	vld.idx.msk [tilespmem:v5+s18+$0x0], $0xffff  }
0xb2: {  	v6 =	vld.idx.msk [tilespmem:v6+s19+$0x0], $0xffff;
	_ =	sdelay $0x3  }
0xb3: {  	vm1 =	veq.s32 v7, v3;
	vm2 =	veq.s32 v8, v4  }
0xb4: {  	vm3 =	vgt.s32 v5, $0x0;
	vm4 =	vgt.s32 v6, $0x0;
	vm2 =	vmor vm1, vm2  }
0xb5: {  	vm3 =	vmor vm3, vm4;
	vm1 =	vmneg vm2  }
0xb6: {  	vm1 =	vmand vm3, vm1  }
0xb7: {  	v3 =	vsel vm1, $0x1, v0  }
0xb8: {  	(xrf0) =	vadd.scan.msk.s32 $0xffff, v3;
	_ =	sdelay $0x5  }
0xb9: {  	v63, _, _ =	vpop (xrf0)  }
0xba: {  	(v2sf) =	vpush v63, $0xF;
	_ =	sdelay $0xe  }
0xbb: {  	s25 =	spop (v2sf)  }
0xbc: {  	p0 =	slt.s32 s25, $0x1  }
0xbd: {  	v3 =	vor.u32 @!p0 $0x80000000, v3  }
0xbe: {  	(xrf0) =	vmax.scan.msk.u32 @!p0 $0xffff, v3;
	_ =	sdelay $0x5  }
0xbf: {  	v3, _, _ =	vpop @!p0 (xrf0)  }
0xc0: {  	(v2sf) =	vpush @!p0 v3, $0xF;
	_ =	sdelay $0xe  }
0xc1: {  	s25 =	spop @!p0 (v2sf)  }
0xc2: {  	p1 =	slt.u32 @!p0 s25, $0x80000001  }
0xc3: {  	p0 =	por p0, p1  }
.Ltmp7:
0xc4: {  	_ = 	snop;
	(pc) =	sbr.rel @p0 .LBB2_13-.Ltmp7, $3  }
0xc5: {  	_ =	sdelay $0x1  }
0xc6: {  	v3 =	vsel vm2, $0x1, v0  }
0xc7: {  	[tilespmem:s24+$0x11100] =	vst v3  }
0xc8: {  	v3 =	vmov s24  }
.LBB2_10:
0xc9: {  	v9 =	vmctz.xlane vm1;
	_ =	sdelay $0x1  }
0xca: {  	v4 =	vadd.s32 v3, v9;
	_ =	sdelay $0x1  }
0xcb: {  	s25 =	simm.s32 $0x0  }
0xcc: {  	v7 =	vld [tilespmem:s25+$0x0]  }
0xcd: {  	v8 =	vld [tilespmem:s25+$0x800]  }
0xce: {  	v6 =	vld.idx.msk [tilespmem:v4+s10+$0x0], $0xffff  }
0xcf: {  	v5 =	vld.idx.msk [tilespmem:v4+s11+$0x0], $0xffff  }
0xd0: {  	v12 =	vld [tilespmem:s25+$0x10]  }
0xd1: {  	v13 =	vld [tilespmem:s25+$0x810]  }
0xd2: {  	v11 =	vld [tilespmem:s25+$0x20]  }
0xd3: {  	v10 =	vld [tilespmem:s25+$0x820]  }
0xd4: {  	vm2 =	veq.s32 v7, v6;
	vm3 =	veq.s32 v8, v5;
	v8 =	vld [tilespmem:s25+$0x30]  }
0xd5: {  	s24 =	simm.s32 $0x40;
	v7 =	vld [tilespmem:s25+$0x830];
	vm2 =	vmor vm2, vm3;
	vm3 =	veq.s32 v12, v6  }
0xd6: {  	s25 =	simm.s32 $0x200;
	vm4 =	veq.s32 v13, v5;
	v12 =	vld [tilespmem:s24+$0x0];
	vm3 =	vmor vm2, vm3;
	vm2 =	vmmov vm0  }
.LBB2_11:
0xd7: {  	p0 =	sne.s32 s25, $0x1F00;
	v13 =	vld [tilespmem:s24+$0x800];
	vm3 =	vmor vm3, vm4;
	vm4 =	veq.s32 v11, v6  }
0xd8: {  	v14 =	vld [tilespmem:s24+$0x10];
	vm3 =	vmor vm3, vm4;
	vm4 =	veq.s32 v10, v5  }
0xd9: {  	v15 =	vld [tilespmem:s24+$0x810];
	vm3 =	vmor vm3, vm4;
	vm4 =	veq.s32 v8, v6  }
.Ltmp8:
0xda: {  	v11 =	vld [tilespmem:s24+$0x20];
	vm3 =	vmor vm3, vm4;
	vm4 =	veq.s32 v7, v5;
	(pc) =	sbr.rel @p0 .LBB2_11-.Ltmp8, $4  }
0xdb: {  	v10 =	vld [tilespmem:s24+$0x820];
	vm3 =	vmor vm3, vm4  }
0xdc: {  	vm4 =	veq.s32 v12, v6;
	vm5 =	veq.s32 v13, v5;
	v8 =	vld [tilespmem:s24+$0x30];
	vm2 =	vmor vm2, vm3  }
0xdd: {  	vm3 =	vmor vm4, vm5;
	vm4 =	veq.s32 v14, v6;
	v7 =	vld [tilespmem:s24+$0x830];
	s24 =	sshra.s32 s25, $0x2  }
0xde: {  	s25 =	sadd.s32 $0x100, s25;
	v12 =	vld [tilespmem:s24+$0x0];
	vm3 =	vmor vm3, vm4;
	vm4 =	veq.s32 v15, v5  }
0xdf: {  	vm5 =	vne.s32 v9, v2  }
0xe0: {  	vm1 =	vmand vm1, vm5  }
0xe1: {  	v58 =	vsel vm1, $0x1, v0  }
0xe2: {  	v9 =	vor.u32 $0x80000000, v58  }
0xe3: {  	(xrf0) =	vmax.scan.msk.u32 $0xffff, v9;
	_ =	sdelay $0x5  }
0xe4: {  	v13, _, _ =	vpop (xrf0)  }
0xe5: {  	(v2sf) =	vpush v13, $0xF;
	_ =	sdelay $0x2  }
0xe6: {  	v59 =	vld [tilespmem:s24+$0x800]  }
0xe7: {  	v14 =	vld [tilespmem:s24+$0x10]  }
0xe8: {  	v60 =	vld [tilespmem:s24+$0x810]  }
0xe9: {  	v15 =	vld [tilespmem:s24+$0x20]  }
0xea: {  	vm3 =	vmor vm3, vm4;
	vm13 =	veq.s32 v11, v6;
	v61 =	vld [tilespmem:s24+$0x820]  }
0xeb: {  	v62 =	vld [tilespmem:s24+$0x30];
	vm3 =	vmor vm3, vm13;
	vm14 =	veq.s32 v12, v6;
	vm15 =	veq.s32 v59, v5  }
0xec: {  	v63 =	vld [tilespmem:s24+$0x830];
	vm6 =	veq.s32 v10, v5;
	vm8 =	veq.s32 v14, v6;
	vm4 =	vmor vm14, vm15  }
0xed: {  	vm3 =	vmor vm3, vm6;
	vm9 =	veq.s32 v60, v5;
	vm4 =	vmor vm4, vm8  }
0xee: {  	vm10 =	veq.s32 v8, v6;
	vm11 =	veq.s32 v15, v6;
	vm4 =	vmor vm4, vm9  }
0xef: {  	vm3 =	vmor vm3, vm10;
	vm12 =	veq.s32 v61, v5;
	vm4 =	vmor vm4, vm11  }
0xf0: {  	vm13 =	veq.s32 v7, v5;
	vm14 =	veq.s32 v62, v6;
	vm4 =	vmor vm4, vm12  }
0xf1: {  	vm3 =	vmor vm3, vm13;
	vm15 =	veq.s32 v63, v5;
	vm4 =	vmor vm4, vm14  }
0xf2: {  	vm2 =	vmor vm2, vm3;
	vm3 =	vmor vm4, vm15;
	s31 =	spop (v2sf)  }
0xf3: {  	vm2 =	vmor vm2, vm3;
	p0 =	sgt.u32 s31, $0x80000000  }
.Ltmp9:
0xf4: {  	v5 =	vmpcnt.ones.xlane vm2;
	(pc) =	sbr.rel @p0 .LBB2_10-.Ltmp9, $4  }
.Ltmp10:
0xf5: {  	_ = 	snop;
	(pc) =	sbr.rel @!p0 .LBB2_13-.Ltmp10, $4  }
0xf6: {  	vm2 =	vgt.s32 v5, $0x0  }
0xf7: {  	v5 =	vsel vm2, $0x1, v0  }
0xf8: {  	[tilespmem:v4+s20+$0x0] =	vst.idx.msk $0x1, v5  }
0xf9: {  	_ = 	snop  }
.LBB2_15:
0xfa: {  	_ =	sfence.sel $0x180000  }
0xfb: {  	[bflag:$0x0] =	sbarrier.arrive $0xFFFF  }
0xfc: {  	p0 =	sne.s32 s1, $0x0;
	_ =	strace $0x90000047  }
0xfd: {  	s0 =	sadd.s32 @!p0 $0x100000, s0;
	[bflag:$0x2] =	sbarrier.arrive $0xFFFF  }
0xfe: {  	[sflag:s0] =	ssyncadd.tile.s32 @!p0 $0x1;
	_ =	shalt  }
.Lfunc_end2:
_tile_overlayer_lowered:
.L_overlay_start_2:
0xff: {  	(tag) =	ssettag $0x2  }
0x100: {  	s0 =	rddreg [dreg:$0x0];
	s2 =	stileid.u32  }
0x101: {  	s1 =	rddreg [dreg:$0x1];
	p0 =	sne.s32 s2, $0x0  }
0x102: {  	s3 =	rddreg [dreg:$0x2];
	[bflag:$0x3] =	sbarrier.arrive $0xFFFF;
	s2 =	simm.s32 @!p0 $0x1C05  }
0x103: {  	[timem:s3], [sflag:s2] =	dma.local @!p0 [hbm:s0], s1  }
0x104: {  	s0 =	simm.s32 @!p0 $0x5  }
0x105: {  	_ =	swait.ge @!p0 [sflag:s0], s1  }
0x106: {  	s1 =	ssub.s32 @!p0 $0x0, s1;
	[sflag:s0] =	ssyncset.done @!p0 $0x0  }
0x107: {  	[sflag:s0] =	ssyncadd.s32 @!p0 s1  }
0x108: {  	[bflag:$0x3] =	sbarrier.arrive $0xFFFF  }
0x109: {  	_ =	shalt  }

</sc_bundles>
